<compile_context>
chip_gen: v7x
topology: tpu7x:2x2x1
jax: 0.10.2.dev20260603
libtpu: 0.0.44.dev20260713+nightly
codegen_flags: <defaults>
</compile_context>

<pallas_src>
import functools

import jax
import jax.numpy as jnp
from jax import lax
from jax.experimental import pallas as pl
from jax.experimental.pallas import tpu as pltpu
from jax.experimental.pallas import tpu_sc as plsc

N = 10000
E = 320000
C = 128

try:
    _info = plsc.get_sparse_core_info()
    NC, NS = _info.num_cores, _info.num_subcores
except Exception:
    NC, NS = 2, 16
NW = NC * NS
K = 128
CHUNKS = E // K
CPW = CHUNKS // NW
EXTRA = CHUNKS - CPW * NW
NPS = (N // NS) // 8 * 8
NTAIL = N - NPS * NS

_mesh = plsc.VectorSubcoreMesh(core_axis_name="c", subcore_axis_name="s")



@functools.partial(
    pl.kernel,
    out_type=jax.ShapeDtypeStruct((NW, N), jnp.float32),
    mesh=_mesh,
    scratch_types=[
        pltpu.VMEM((2, CPW * K), jnp.int32),
        pltpu.VMEM((2, K), jnp.int32),
        pltpu.VMEM((N,), jnp.float32),
        pltpu.SemaphoreType.DMA,
    ],
    compiler_params=pltpu.CompilerParams(needs_layout_passes=False),
)
def _sc_hist(ei_hbm, out_hbm, ebuf, ebuf_x, hist_v, sem):
    cid = lax.axis_index("c")
    sid = lax.axis_index("s")
    wid = sid * NC + cid
    cp = pltpu.async_copy(ei_hbm.at[:, pl.ds(wid * CPW * K, CPW * K)],
                          ebuf, sem)

    def zbody(i, carry):
        hist_v[pl.ds(i * 16, 16)] = jnp.zeros((16,), jnp.float32)
        return carry

    lax.fori_loop(0, N // 16, zbody, 0)
    cp.wait()
    ones = jnp.ones((16,), jnp.float32)

    def body(i, carry):
        idx = ebuf[1, pl.ds(i * 16, 16)]
        plsc.addupdate_scatter(hist_v, [idx], ones)
        return carry

    lax.fori_loop(0, CPW * K // 16, body, 0)

    @pl.when(wid < EXTRA)
    def _():
        pltpu.sync_copy(ei_hbm.at[:, pl.ds((CPW * NW + wid) * K, K)], ebuf_x)

        def xbody(i, carry):
            idx = ebuf_x[1, pl.ds(i * 16, 16)]
            plsc.addupdate_scatter(hist_v, [idx], ones)
            return carry

        lax.fori_loop(0, K // 16, xbody, 0)

    pltpu.sync_copy(hist_v, out_hbm.at[wid])



@functools.partial(
    pl.kernel,
    out_type=jax.ShapeDtypeStruct((NC, N, C), jnp.bfloat16),
    mesh=_mesh,
    scratch_types=[
        pltpu.VMEM((2, K), jnp.int32),
        pltpu.VMEM((2, K), jnp.int32),
        pltpu.VMEM((2, K), jnp.int32),
        pltpu.VMEM((2, K), jnp.int32),
        pltpu.VMEM((2, K), jnp.int32),
        pltpu.VMEM((2, K), jnp.int32),
        pltpu.VMEM((K, C), jnp.bfloat16),
        pltpu.VMEM((K, C), jnp.bfloat16),
        pltpu.VMEM((K, C), jnp.bfloat16),
        pltpu.VMEM_SHARED((N, C), jnp.bfloat16),
        pltpu.SemaphoreType.DMA,
        pltpu.SemaphoreType.DMA,
        pltpu.SemaphoreType.DMA,
        pltpu.SemaphoreType.DMA,
        pltpu.SemaphoreType.DMA,
        pltpu.SemaphoreType.DMA,
        pltpu.SemaphoreType.DMA,
        pltpu.SemaphoreType.DMA,
        pltpu.SemaphoreType.DMA,
    ],
    compiler_params=pltpu.CompilerParams(use_tc_tiling_on_sc=False),
)
def _sc_scatter(ei_hbm, g_hbm, out_hbm,
                eb0, eb1, eb2, eb3, eb4, eb5, rows0, rows1, rows2, acc,
                semE0, semE1, semE2, semE3, semE4, semE5,
                semG0, semG1, semG2):
    cid = lax.axis_index("c")
    sid = lax.axis_index("s")
    wid = sid * NC + cid
    cbase = wid * CPW

    def zr(r, carry):
        def zc(c, carry2):
            rows0[r, pl.ds(c * 32, 32)] = jnp.zeros((32,), jnp.bfloat16)
            return carry2
        return lax.fori_loop(0, C // 32, zc, carry)

    lax.fori_loop(0, K, zr, 0)
    for q in range(NPS // K):
        pltpu.sync_copy(rows0, acc.at[pl.ds(sid * NPS + q * K, K)])
    pltpu.sync_copy(rows0.at[pl.ds(0, NPS - (NPS // K) * K)],
                    acc.at[pl.ds(sid * NPS + (NPS // K) * K,
                                 NPS - (NPS // K) * K)])

    @pl.when(sid == 0)
    def _():
        pltpu.sync_copy(rows0.at[pl.ds(0, NTAIL)],
                        acc.at[pl.ds(NPS * NS, NTAIL)])

    plsc.subcore_barrier()

    ebuf = (eb0, eb1, eb2, eb3, eb4, eb5)
    semE = (semE0, semE1, semE2, semE3, semE4, semE5)
    rows = (rows0, rows1, rows2)
    semG = (semG0, semG1, semG2)

    def eload_start(r, e):
        pltpu.async_copy(ei_hbm.at[:, pl.ds((cbase + r) * K, K)],
                         ebuf[e], semE[e])

    def eload_wait(r, e):
        pltpu.make_async_copy(ei_hbm.at[:, pl.ds((cbase + r) * K, K)],
                              ebuf[e], semE[e]).wait()

    def gather_start(e, b):
        pltpu.async_copy(g_hbm.at[ebuf[e].at[0]], rows[b], semG[b])

    def gather_wait(e, b):
        pltpu.make_async_copy(g_hbm.at[ebuf[e].at[0]], rows[b], semG[b]).wait()

    def scatter(e, b):
        pltpu.sync_copy(rows[b], acc.at[ebuf[e].at[1]], add=True)

    for p in range(6):
        eload_start(p, p)
    eload_wait(0, 0)
    gather_start(0, 0)
    eload_wait(1, 1)
    gather_start(1, 1)

    @pl.loop(0, CPW, step=6)
    def _(j):
        for u in range(6):
            r = j + u
            e = u % 6
            b = u % 3
            e2 = (u + 2) % 6
            b2 = (u + 2) % 3

            @pl.when(r + 2 < CPW)
            def _():
                eload_wait(r + 2, e2)
                gather_start(e2, b2)

            gather_wait(e, b)
            scatter(e, b)

            @pl.when(r + 6 < CPW)
            def _():
                eload_start(r + 6, e)

    @pl.when(wid < EXTRA)
    def _():
        pltpu.sync_copy(ei_hbm.at[:, pl.ds((CPW * NW + wid) * K, K)], eb0)
        pltpu.async_copy(g_hbm.at[eb0.at[0]], rows0, semG0)
        pltpu.make_async_copy(g_hbm.at[eb0.at[0]], rows0, semG0).wait()
        pltpu.sync_copy(rows0, acc.at[eb0.at[1]], add=True)

    plsc.subcore_barrier()
    pltpu.sync_copy(acc.at[pl.ds(sid * NPS, NPS)],
                    out_hbm.at[cid, pl.ds(sid * NPS, NPS)])

    @pl.when(sid == 0)
    def _():
        pltpu.sync_copy(acc.at[pl.ds(NPS * NS, NTAIL)],
                        out_hbm.at[cid, pl.ds(NPS * NS, NTAIL)])



_RB = 1000
_GRID = N // _RB


def _tc1a_body(x_ref, wc_ref, h_ref):
    h_ref[...] = jnp.dot(x_ref[...], wc_ref[...],
                         preferred_element_type=jnp.float32)


def _tc1a(x, wc):
    return pl.pallas_call(
        _tc1a_body,
        grid=(_GRID,),
        in_specs=[
            pl.BlockSpec((_RB, C), lambda i: (i, 0)),
            pl.BlockSpec((C, C), lambda i: (0, 0)),
        ],
        out_specs=pl.BlockSpec((_RB, C), lambda i: (i, 0)),
        out_shape=jax.ShapeDtypeStruct((N, C), jnp.float32),
    )(x, wc)


def _tc1b_body(parts_ref, h_ref, g_ref, dinv_ref):
    deg = jnp.sum(parts_ref[...], axis=0) + 1.0
    dinv = lax.rsqrt(deg)
    g_ref[...] = (h_ref[...] * dinv[:, None]).astype(jnp.bfloat16)
    dinv_ref[...] = dinv[:, None]


def _tc1b(parts, h):
    return pl.pallas_call(
        _tc1b_body,
        out_shape=(
            jax.ShapeDtypeStruct((N, C), jnp.bfloat16),
            jax.ShapeDtypeStruct((N, 1), jnp.float32),
        ),
    )(parts, h)


def _tc2_body(s_ref, g_ref, dinv_ref, bc_ref, wl_ref, bl_ref, out_ref):
    dinv = dinv_ref[...]
    ssum = (s_ref[0].astype(jnp.float32) + s_ref[1].astype(jnp.float32)
            + g_ref[...].astype(jnp.float32))
    agg = ssum * dinv + bc_ref[...]
    out = lax.dot_general(agg, wl_ref[...], (((1,), (1,)), ((), ())),
                          preferred_element_type=jnp.float32)
    out_ref[...] = out + bl_ref[...]


def _tc2(s, g, dinv, bc, wl, bl):
    return pl.pallas_call(
        _tc2_body,
        grid=(_GRID,),
        in_specs=[
            pl.BlockSpec((2, _RB, C), lambda i: (0, i, 0)),
            pl.BlockSpec((_RB, C), lambda i: (i, 0)),
            pl.BlockSpec((_RB, 1), lambda i: (i, 0)),
            pl.BlockSpec((1, C), lambda i: (0, 0)),
            pl.BlockSpec((C, C), lambda i: (0, 0)),
            pl.BlockSpec((1, C), lambda i: (0, 0)),
        ],
        out_specs=pl.BlockSpec((_RB, C), lambda i: (i, 0)),
        out_shape=jax.ShapeDtypeStruct((N, C), jnp.float32),
    )(s, g, dinv, bc, wl, bl)


def kernel(x, edge_index, W_conv, b_conv, W_lin, b_lin):
    ei = edge_index.astype(jnp.int32)
    parts = _sc_hist(ei)
    h = _tc1a(x, W_conv)
    g, dinv = _tc1b(parts, h)
    s = _sc_scatter(ei, g)
    return _tc2(s, g, dinv, b_conv.reshape(1, C), W_lin, b_lin.reshape(1, C))

# --- scband reference (transcript-rebuilt; emitter-appended) ---
"""Pipeline reference for scband-rect-l-2714419331272 (READ-ONLY COPY).

The authoritative reference and input builder live on the scoring server;
editing this copy changes nothing except your own understanding.
"""

import jax, jax.numpy as jnp
import numpy as np

N_NODES = 10000
E_EDGES = 320000
IN_CH = 128
HID_CH = 128

def setup_inputs(seed: int = 0) -> dict:
    key = jax.random.key(seed)
    k_x, k_ei, k_wc, k_wl, k_bl = jax.random.split(key, 5)
    x = jax.random.normal(k_x, (N_NODES, IN_CH), dtype=jnp.float32)
    edge_index = jax.random.randint(k_ei, (2, E_EDGES), 0, N_NODES, dtype=jnp.int64)
    # GCNConv weight (glorot) + zero bias
    limit_c = float(np.sqrt(6.0 / (IN_CH + HID_CH)))
    W_conv = jax.random.uniform(k_wc, (IN_CH, HID_CH), minval=-limit_c, maxval=limit_c, dtype=jnp.float32)
    b_conv = jnp.zeros((HID_CH,), dtype=jnp.float32)
    # Linear(hidden_channels, in_channels) with xavier_uniform weight
    limit_l = float(np.sqrt(6.0 / (HID_CH + IN_CH)))
    W_lin = jax.random.uniform(k_wl, (IN_CH, HID_CH), minval=-limit_l, maxval=limit_l, dtype=jnp.float32)
    b_lin = jax.random.uniform(k_bl, (IN_CH,), minval=-limit_l, maxval=limit_l, dtype=jnp.float32)
    return {"x": x, "edge_index": edge_index, "W_conv": W_conv, "b_conv": b_conv, "W_lin": W_lin, "b_lin": b_lin}

def reference(x, edge_index, W_conv, b_conv, W_lin, b_lin):
    N = x.shape[0]
    src = edge_index[0]
    dst = edge_index[1]
    # GCN: add self-loops
    loop = jnp.arange(N, dtype=src.dtype)
    src = jnp.concatenate([src, loop])
    dst = jnp.concatenate([dst, loop])
    # symmetric normalization deg^{-1/2}[src] * deg^{-1/2}[dst]
    deg = jax.ops.segment_sum(jnp.ones_like(dst, dtype=x.dtype), dst, num_segments=N)
    dinv = jnp.where(deg > 0, 1.0 / jnp.sqrt(deg), 0.0)
    norm = dinv[src] * dinv[dst]
    # linear transform, gather by src, scatter-add to dst
    h = x @ W_conv
    msgs = norm[:, None] * jnp.take(h, src, axis=0)
    agg = jax.ops.segment_sum(msgs, dst, num_segments=N) + b_conv
    # dropout p=0.0 -> identity; final Linear(hidden, in)
    out = agg @ W_lin.T + b_lin
    return out

if __name__ == "__main__":
    import jax
    _d = setup_inputs()
    print(jax.jit(kernel)(*tuple(_d.values())))

</pallas_src>

<mosaic_0001>
#map = affine_map<(d0, d1) -> (0, 0)>
#map1 = affine_map<(d0, d1) -> (0, 0, 0)>
module attributes {stable_mosaic.version = 14 : i64} {
  func.func @_sc_scatter(%arg0: i32, %arg1: i32, %arg2: memref<2x320000xi32, #tpu.memory_space<hbm>>, %arg3: memref<10000x128xbf16, #tpu.memory_space<hbm>>, %arg4: memref<2x10000x128xbf16, #tpu.memory_space<hbm>>, %arg5: memref<2x128xi32, #tpu.memory_space<vmem>>, %arg6: memref<2x128xi32, #tpu.memory_space<vmem>>, %arg7: memref<2x128xi32, #tpu.memory_space<vmem>>, %arg8: memref<2x128xi32, #tpu.memory_space<vmem>>, %arg9: memref<2x128xi32, #tpu.memory_space<vmem>>, %arg10: memref<2x128xi32, #tpu.memory_space<vmem>>, %arg11: memref<128x128xbf16, #tpu.memory_space<vmem>>, %arg12: memref<128x128xbf16, #tpu.memory_space<vmem>>, %arg13: memref<128x128xbf16, #tpu.memory_space<vmem>>, %arg14: memref<10000x128xbf16, #tpu.memory_space<vmem_shared>>, %arg15: memref<!tpu.dma_semaphore, #tpu.memory_space<semaphore_mem>>, %arg16: memref<!tpu.dma_semaphore, #tpu.memory_space<semaphore_mem>>, %arg17: memref<!tpu.dma_semaphore, #tpu.memory_space<semaphore_mem>>, %arg18: memref<!tpu.dma_semaphore, #tpu.memory_space<semaphore_mem>>, %arg19: memref<!tpu.dma_semaphore, #tpu.memory_space<semaphore_mem>>, %arg20: memref<!tpu.dma_semaphore, #tpu.memory_space<semaphore_mem>>, %arg21: memref<!tpu.dma_semaphore, #tpu.memory_space<semaphore_mem>>, %arg22: memref<!tpu.dma_semaphore, #tpu.memory_space<semaphore_mem>>, %arg23: memref<!tpu.dma_semaphore, #tpu.memory_space<semaphore_mem>>) attributes {dimension_semantics = [#tpu.dimension_semantics<core_parallel>, #tpu.dimension_semantics<subcore_parallel>], iteration_bounds = array<i64: 2, 16>, scalar_prefetch = 0 : i64, scratch_operands = 19 : i64, tpu.core_type = #tpu.core_type<sc_vector_subcore>, window_params = [{transform_indices = #map}, {transform_indices = #map}, {transform_indices = #map1}]} {
    %mul3A = arith.constant 2 : i32
    %mul3A_0 = arith.muli %arg1, %mul3A : i32
    %add3A = arith.addi %mul3A_0, %arg0 : i32
    %mul3A_1 = arith.constant 78 : i32
    %mul3A_2 = arith.muli %add3A, %mul3A_1 : i32
    %scan3A = arith.constant 0 : i32
    %scan3A_3 = arith.constant 0 : i32
    %scan3A_4 = arith.constant 128 : i32
    %scan3A_5 = arith.addi %scan3A_3, %scan3A_4 : i32
    %scan3A_6 = arith.constant 1 : i32
    scf.for %scan3A_125 = %scan3A_3 to %scan3A_5 step %scan3A_6  : i32 {
      %scan3A_126 = arith.constant 0 : i32
      %scan3A_127 = arith.constant 4 : i32
      %scan3A_128 = arith.addi %scan3A_126, %scan3A_127 : i32
      %scan3A_129 = arith.constant 1 : i32
      scf.for %scan3A_131 = %scan3A_126 to %scan3A_128 step %scan3A_129  : i32 {
        %broadcast_in_dim3A = arith.constant 0.000000e+00 : bf16
        %broadcast_in_dim3A_132 = vector.broadcast %broadcast_in_dim3A : bf16 to vector<32xbf16>
        %mul3A_133 = arith.constant 32 : i32
        %mul3A_134 = arith.muli %scan3A_131, %mul3A_133 : i32
        %swap3A = arith.index_cast %scan3A_125 : i32 to index
        %swap3A_135 = arith.index_cast %mul3A_134 : i32 to index
        %swap3A_136 = tpu.vector_load %arg11[%swap3A, %swap3A_135] {strides = array<i32>} : memref<128x128xbf16, #tpu.memory_space<vmem>>, vector<1x32xbf16>,
        %swap3A_137 = vector.shape_cast %swap3A_136 : vector<1x32xbf16> to vector<32xbf16>
        %swap3A_138 = vector.shape_cast %broadcast_in_dim3A_132 : vector<32xbf16> to vector<1x32xbf16>
        tpu.vector_store %arg11[%swap3A, %swap3A_135], %swap3A_138 {strides = array<i32>} : memref<128x128xbf16, #tpu.memory_space<vmem>>, vector<1x32xbf16>,
      }
      %scan3A_130 = arith.constant 4 : i32
    }
    %scan3A_7 = arith.constant 128 : i32
    %mul3A_8 = arith.constant 624 : i32
    %mul3A_9 = arith.muli %arg1, %mul3A_8 : i32
    %add3A_10 = arith.constant 0 : i32
    %add3A_11 = arith.addi %mul3A_9, %add3A_10 : i32
    "tpu.region"() ({
      %run_scoped3A = tpu.sem_alloc : memref<!tpu.dma_semaphore, #tpu.memory_space<semaphore_mem>>
      %dma_start3A_125 = arith.constant 0 : i32
      %dma_start3A_126 = tpu.memref_slice %arg14[%add3A_11, %dma_start3A_125] : memref<10000x128xbf16, #tpu.memory_space<vmem_shared>> -> memref<128x128xbf16, #tpu.memory_space<vmem_shared>>
      %dma_start3A_127 = arith.constant 0 : i32
      %dma_start3A_128 = tpu.memref_slice %arg14[%add3A_11, %dma_start3A_127] : memref<10000x128xbf16, #tpu.memory_space<vmem_shared>> -> memref<128x128xbf16, #tpu.memory_space<vmem_shared>>
      tpu.enqueue_dma source(%arg11 : memref<128x128xbf16, #tpu.memory_space<vmem>>) target(%dma_start3A_128 : memref<128x128xbf16, #tpu.memory_space<vmem_shared>>) target_semaphore(%run_scoped3A : memref<!tpu.dma_semaphore, #tpu.memory_space<semaphore_mem>>)
      %dma_wait3A_129 = arith.constant 0 : i32
      %dma_wait3A_130 = tpu.memref_slice %arg14[%add3A_11, %dma_wait3A_129] : memref<10000x128xbf16, #tpu.memory_space<vmem_shared>> -> memref<128x128xbf16, #tpu.memory_space<vmem_shared>>
      %dma_wait3A_131 = arith.constant 0 : i32
      %dma_wait3A_132 = tpu.memref_slice %arg14[%add3A_11, %dma_wait3A_131] : memref<10000x128xbf16, #tpu.memory_space<vmem_shared>> -> memref<128x128xbf16, #tpu.memory_space<vmem_shared>>
      tpu.wait_dma2 semaphore(%run_scoped3A : memref<!tpu.dma_semaphore, #tpu.memory_space<semaphore_mem>>) src(%arg11 : memref<128x128xbf16, #tpu.memory_space<vmem>>) dst(%dma_wait3A_132 : memref<128x128xbf16, #tpu.memory_space<vmem_shared>>)
      tpu.yield
    }) : () -> ()
    %mul3A_12 = arith.constant 624 : i32
    %mul3A_13 = arith.muli %arg1, %mul3A_12 : i32
    %add3A_14 = arith.constant 128 : i32
    %add3A_15 = arith.addi %mul3A_13, %add3A_14 : i32
    "tpu.region"() ({
      %run_scoped3A = tpu.sem_alloc : memref<!tpu.dma_semaphore, #tpu.memory_space<semaphore_mem>>
      %dma_start3A_125 = arith.constant 0 : i32
      %dma_start3A_126 = tpu.memref_slice %arg14[%add3A_15, %dma_start3A_125] : memref<10000x128xbf16, #tpu.memory_space<vmem_shared>> -> memref<128x128xbf16, #tpu.memory_space<vmem_shared>>
      %dma_start3A_127 = arith.constant 0 : i32
      %dma_start3A_128 = tpu.memref_slice %arg14[%add3A_15, %dma_start3A_127] : memref<10000x128xbf16, #tpu.memory_space<vmem_shared>> -> memref<128x128xbf16, #tpu.memory_space<vmem_shared>>
      tpu.enqueue_dma source(%arg11 : memref<128x128xbf16, #tpu.memory_space<vmem>>) target(%dma_start3A_128 : memref<128x128xbf16, #tpu.memory_space<vmem_shared>>) target_semaphore(%run_scoped3A : memref<!tpu.dma_semaphore, #tpu.memory_space<semaphore_mem>>)
      %dma_wait3A_129 = arith.constant 0 : i32
      %dma_wait3A_130 = tpu.memref_slice %arg14[%add3A_15, %dma_wait3A_129] : memref<10000x128xbf16, #tpu.memory_space<vmem_shared>> -> memref<128x128xbf16, #tpu.memory_space<vmem_shared>>
      %dma_wait3A_131 = arith.constant 0 : i32
      %dma_wait3A_132 = tpu.memref_slice %arg14[%add3A_15, %dma_wait3A_131] : memref<10000x128xbf16, #tpu.memory_space<vmem_shared>> -> memref<128x128xbf16, #tpu.memory_space<vmem_shared>>
      tpu.wait_dma2 semaphore(%run_scoped3A : memref<!tpu.dma_semaphore, #tpu.memory_space<semaphore_mem>>) src(%arg11 : memref<128x128xbf16, #tpu.memory_space<vmem>>) dst(%dma_wait3A_132 : memref<128x128xbf16, #tpu.memory_space<vmem_shared>>)
      tpu.yield
    }) : () -> ()
    %mul3A_16 = arith.constant 624 : i32
    %mul3A_17 = arith.muli %arg1, %mul3A_16 : i32
    %add3A_18 = arith.constant 256 : i32
    %add3A_19 = arith.addi %mul3A_17, %add3A_18 : i32
    "tpu.region"() ({
      %run_scoped3A = tpu.sem_alloc : memref<!tpu.dma_semaphore, #tpu.memory_space<semaphore_mem>>
      %dma_start3A_125 = arith.constant 0 : i32
      %dma_start3A_126 = tpu.memref_slice %arg14[%add3A_19, %dma_start3A_125] : memref<10000x128xbf16, #tpu.memory_space<vmem_shared>> -> memref<128x128xbf16, #tpu.memory_space<vmem_shared>>
      %dma_start3A_127 = arith.constant 0 : i32
      %dma_start3A_128 = tpu.memref_slice %arg14[%add3A_19, %dma_start3A_127] : memref<10000x128xbf16, #tpu.memory_space<vmem_shared>> -> memref<128x128xbf16, #tpu.memory_space<vmem_shared>>
      tpu.enqueue_dma source(%arg11 : memref<128x128xbf16, #tpu.memory_space<vmem>>) target(%dma_start3A_128 : memref<128x128xbf16, #tpu.memory_space<vmem_shared>>) target_semaphore(%run_scoped3A : memref<!tpu.dma_semaphore, #tpu.memory_space<semaphore_mem>>)
      %dma_wait3A_129 = arith.constant 0 : i32
      %dma_wait3A_130 = tpu.memref_slice %arg14[%add3A_19, %dma_wait3A_129] : memref<10000x128xbf16, #tpu.memory_space<vmem_shared>> -> memref<128x128xbf16, #tpu.memory_space<vmem_shared>>
      %dma_wait3A_131 = arith.constant 0 : i32
      %dma_wait3A_132 = tpu.memref_slice %arg14[%add3A_19, %dma_wait3A_131] : memref<10000x128xbf16, #tpu.memory_space<vmem_shared>> -> memref<128x128xbf16, #tpu.memory_space<vmem_shared>>
      tpu.wait_dma2 semaphore(%run_scoped3A : memref<!tpu.dma_semaphore, #tpu.memory_space<semaphore_mem>>) src(%arg11 : memref<128x128xbf16, #tpu.memory_space<vmem>>) dst(%dma_wait3A_132 : memref<128x128xbf16, #tpu.memory_space<vmem_shared>>)
      tpu.yield
    }) : () -> ()
    %mul3A_20 = arith.constant 624 : i32
    %mul3A_21 = arith.muli %arg1, %mul3A_20 : i32
    %add3A_22 = arith.constant 384 : i32
    %add3A_23 = arith.addi %mul3A_21, %add3A_22 : i32
    "tpu.region"() ({
      %run_scoped3A = tpu.sem_alloc : memref<!tpu.dma_semaphore, #tpu.memory_space<semaphore_mem>>
      %dma_start3A_125 = arith.constant 0 : i32
      %dma_start3A_126 = tpu.memref_slice %arg14[%add3A_23, %dma_start3A_125] : memref<10000x128xbf16, #tpu.memory_space<vmem_shared>> -> memref<128x128xbf16, #tpu.memory_space<vmem_shared>>
      %dma_start3A_127 = arith.constant 0 : i32
      %dma_start3A_128 = tpu.memref_slice %arg14[%add3A_23, %dma_start3A_127] : memref<10000x128xbf16, #tpu.memory_space<vmem_shared>> -> memref<128x128xbf16, #tpu.memory_space<vmem_shared>>
      tpu.enqueue_dma source(%arg11 : memref<128x128xbf16, #tpu.memory_space<vmem>>) target(%dma_start3A_128 : memref<128x128xbf16, #tpu.memory_space<vmem_shared>>) target_semaphore(%run_scoped3A : memref<!tpu.dma_semaphore, #tpu.memory_space<semaphore_mem>>)
      %dma_wait3A_129 = arith.constant 0 : i32
      %dma_wait3A_130 = tpu.memref_slice %arg14[%add3A_23, %dma_wait3A_129] : memref<10000x128xbf16, #tpu.memory_space<vmem_shared>> -> memref<128x128xbf16, #tpu.memory_space<vmem_shared>>
      %dma_wait3A_131 = arith.constant 0 : i32
      %dma_wait3A_132 = tpu.memref_slice %arg14[%add3A_23, %dma_wait3A_131] : memref<10000x128xbf16, #tpu.memory_space<vmem_shared>> -> memref<128x128xbf16, #tpu.memory_space<vmem_shared>>
      tpu.wait_dma2 semaphore(%run_scoped3A : memref<!tpu.dma_semaphore, #tpu.memory_space<semaphore_mem>>) src(%arg11 : memref<128x128xbf16, #tpu.memory_space<vmem>>) dst(%dma_wait3A_132 : memref<128x128xbf16, #tpu.memory_space<vmem_shared>>)
      tpu.yield
    }) : () -> ()
    %mul3A_24 = arith.constant 624 : i32
    %mul3A_25 = arith.muli %arg1, %mul3A_24 : i32
    %add3A_26 = arith.constant 512 : i32
    %add3A_27 = arith.addi %mul3A_25, %add3A_26 : i32
    "tpu.region"() ({
      %run_scoped3A = tpu.sem_alloc : memref<!tpu.dma_semaphore, #tpu.memory_space<semaphore_mem>>
      %dma_start3A_125 = arith.constant 0 : i32
      %dma_start3A_126 = arith.constant 0 : i32
      %dma_start3A_127 = tpu.memref_slice %arg11[%dma_start3A_125, %dma_start3A_126] : memref<128x128xbf16, #tpu.memory_space<vmem>> -> memref<112x128xbf16, #tpu.memory_space<vmem>>
      %dma_start3A_128 = arith.constant 0 : i32
      %dma_start3A_129 = tpu.memref_slice %arg14[%add3A_27, %dma_start3A_128] : memref<10000x128xbf16, #tpu.memory_space<vmem_shared>> -> memref<112x128xbf16, #tpu.memory_space<vmem_shared>>
      %dma_start3A_130 = arith.constant 0 : i32
      %dma_start3A_131 = tpu.memref_slice %arg14[%add3A_27, %dma_start3A_130] : memref<10000x128xbf16, #tpu.memory_space<vmem_shared>> -> memref<112x128xbf16, #tpu.memory_space<vmem_shared>>
      %dma_start3A_132 = arith.constant 0 : i32
      %dma_start3A_133 = arith.constant 0 : i32
      %dma_start3A_134 = tpu.memref_slice %arg11[%dma_start3A_132, %dma_start3A_133] : memref<128x128xbf16, #tpu.memory_space<vmem>> -> memref<112x128xbf16, #tpu.memory_space<vmem>>
      tpu.enqueue_dma source(%dma_start3A_134 : memref<112x128xbf16, #tpu.memory_space<vmem>>) target(%dma_start3A_131 : memref<112x128xbf16, #tpu.memory_space<vmem_shared>>) target_semaphore(%run_scoped3A : memref<!tpu.dma_semaphore, #tpu.memory_space<semaphore_mem>>)
      %dma_wait3A_135 = arith.constant 0 : i32
      %dma_wait3A_136 = arith.constant 0 : i32
      %dma_wait3A_137 = tpu.memref_slice %arg11[%dma_wait3A_135, %dma_wait3A_136] : memref<128x128xbf16, #tpu.memory_space<vmem>> -> memref<112x128xbf16, #tpu.memory_space<vmem>>
      %dma_wait3A_138 = arith.constant 0 : i32
      %dma_wait3A_139 = tpu.memref_slice %arg14[%add3A_27, %dma_wait3A_138] : memref<10000x128xbf16, #tpu.memory_space<vmem_shared>> -> memref<112x128xbf16, #tpu.memory_space<vmem_shared>>
      %dma_wait3A_140 = arith.constant 0 : i32
      %dma_wait3A_141 = tpu.memref_slice %arg14[%add3A_27, %dma_wait3A_140] : memref<10000x128xbf16, #tpu.memory_space<vmem_shared>> -> memref<112x128xbf16, #tpu.memory_space<vmem_shared>>
      %dma_wait3A_142 = arith.constant 0 : i32
      %dma_wait3A_143 = arith.constant 0 : i32
      %dma_wait3A_144 = tpu.memref_slice %arg11[%dma_wait3A_142, %dma_wait3A_143] : memref<128x128xbf16, #tpu.memory_space<vmem>> -> memref<112x128xbf16, #tpu.memory_space<vmem>>
      tpu.wait_dma2 semaphore(%run_scoped3A : memref<!tpu.dma_semaphore, #tpu.memory_space<semaphore_mem>>) src(%dma_wait3A_144 : memref<112x128xbf16, #tpu.memory_space<vmem>>) dst(%dma_wait3A_141 : memref<112x128xbf16, #tpu.memory_space<vmem_shared>>)
      tpu.yield
    }) : () -> ()
    %eq3A = arith.constant 0 : i32
    %eq3A_28 = arith.cmpi eq, %arg1, %eq3A : i32
    %convert_element_type3A = arith.extui %eq3A_28 : i1 to i32
    %cond3A = arith.constant 0 : i32
    %cond3A_29 = arith.cmpi ne, %convert_element_type3A, %cond3A : i32
    scf.if %cond3A_29 {
      "tpu.region"() ({
        %run_scoped3A = tpu.sem_alloc : memref<!tpu.dma_semaphore, #tpu.memory_space<semaphore_mem>>
        %dma_start3A_125 = arith.constant 0 : i32
        %dma_start3A_126 = arith.constant 0 : i32
        %dma_start3A_127 = tpu.memref_slice %arg11[%dma_start3A_125, %dma_start3A_126] : memref<128x128xbf16, #tpu.memory_space<vmem>> -> memref<16x128xbf16, #tpu.memory_space<vmem>>
        %dma_start3A_128 = arith.constant 9984 : i32
        %dma_start3A_129 = arith.constant 0 : i32
        %dma_start3A_130 = tpu.memref_slice %arg14[%dma_start3A_128, %dma_start3A_129] : memref<10000x128xbf16, #tpu.memory_space<vmem_shared>> -> memref<16x128xbf16, #tpu.memory_space<vmem_shared>>
        %dma_start3A_131 = arith.constant 9984 : i32
        %dma_start3A_132 = arith.constant 0 : i32
        %dma_start3A_133 = tpu.memref_slice %arg14[%dma_start3A_131, %dma_start3A_132] : memref<10000x128xbf16, #tpu.memory_space<vmem_shared>> -> memref<16x128xbf16, #tpu.memory_space<vmem_shared>>
        %dma_start3A_134 = arith.constant 0 : i32
        %dma_start3A_135 = arith.constant 0 : i32
        %dma_start3A_136 = tpu.memref_slice %arg11[%dma_start3A_134, %dma_start3A_135] : memref<128x128xbf16, #tpu.memory_space<vmem>> -> memref<16x128xbf16, #tpu.memory_space<vmem>>
        tpu.enqueue_dma source(%dma_start3A_136 : memref<16x128xbf16, #tpu.memory_space<vmem>>) target(%dma_start3A_133 : memref<16x128xbf16, #tpu.memory_space<vmem_shared>>) target_semaphore(%run_scoped3A : memref<!tpu.dma_semaphore, #tpu.memory_space<semaphore_mem>>)
        %dma_wait3A_137 = arith.constant 0 : i32
        %dma_wait3A_138 = arith.constant 0 : i32
        %dma_wait3A_139 = tpu.memref_slice %arg11[%dma_wait3A_137, %dma_wait3A_138] : memref<128x128xbf16, #tpu.memory_space<vmem>> -> memref<16x128xbf16, #tpu.memory_space<vmem>>
        %dma_wait3A_140 = arith.constant 9984 : i32
        %dma_wait3A_141 = arith.constant 0 : i32
        %dma_wait3A_142 = tpu.memref_slice %arg14[%dma_wait3A_140, %dma_wait3A_141] : memref<10000x128xbf16, #tpu.memory_space<vmem_shared>> -> memref<16x128xbf16, #tpu.memory_space<vmem_shared>>
        %dma_wait3A_143 = arith.constant 9984 : i32
        %dma_wait3A_144 = arith.constant 0 : i32
        %dma_wait3A_145 = tpu.memref_slice %arg14[%dma_wait3A_143, %dma_wait3A_144] : memref<10000x128xbf16, #tpu.memory_space<vmem_shared>> -> memref<16x128xbf16, #tpu.memory_space<vmem_shared>>
        %dma_wait3A_146 = arith.constant 0 : i32
        %dma_wait3A_147 = arith.constant 0 : i32
        %dma_wait3A_148 = tpu.memref_slice %arg11[%dma_wait3A_146, %dma_wait3A_147] : memref<128x128xbf16, #tpu.memory_space<vmem>> -> memref<16x128xbf16, #tpu.memory_space<vmem>>
        tpu.wait_dma2 semaphore(%run_scoped3A : memref<!tpu.dma_semaphore, #tpu.memory_space<semaphore_mem>>) src(%dma_wait3A_148 : memref<16x128xbf16, #tpu.memory_space<vmem>>) dst(%dma_wait3A_145 : memref<16x128xbf16, #tpu.memory_space<vmem_shared>>)
        tpu.yield
      }) : () -> ()
    } else {
    }
    %barrier3A = arith.constant 0 : index
    tpu.barrier barrier_id(%barrier3A)
    %add3A_30 = arith.constant 0 : i32
    %add3A_31 = arith.addi %mul3A_2, %add3A_30 : i32
    %mul3A_32 = arith.constant 128 : i32
    %mul3A_33 = arith.muli %add3A_31, %mul3A_32 : i32
    %dma_start3A = arith.constant 0 : i32
    %dma_start3A_34 = tpu.memref_slice %arg2[%dma_start3A, %mul3A_33] : memref<2x320000xi32, #tpu.memory_space<hbm>> -> memref<2x128xi32, #tpu.memory_space<hbm>>
    %dma_start3A_35 = arith.constant 0 : i32
    %dma_start3A_36 = tpu.memref_slice %arg2[%dma_start3A_35, %mul3A_33] : memref<2x320000xi32, #tpu.memory_space<hbm>> -> memref<2x128xi32, #tpu.memory_space<hbm>>
    tpu.enqueue_dma source(%dma_start3A_36 : memref<2x128xi32, #tpu.memory_space<hbm>>) target(%arg5 : memref<2x128xi32, #tpu.memory_space<vmem>>) target_semaphore(%arg15 : memref<!tpu.dma_semaphore, #tpu.memory_space<semaphore_mem>>)
    %add3A_37 = arith.constant 1 : i32
    %add3A_38 = arith.addi %mul3A_2, %add3A_37 : i32
    %mul3A_39 = arith.constant 128 : i32
    %mul3A_40 = arith.muli %add3A_38, %mul3A_39 : i32
    %dma_start3A_41 = arith.constant 0 : i32
    %dma_start3A_42 = tpu.memref_slice %arg2[%dma_start3A_41, %mul3A_40] : memref<2x320000xi32, #tpu.memory_space<hbm>> -> memref<2x128xi32, #tpu.memory_space<hbm>>
    %dma_start3A_43 = arith.constant 0 : i32
    %dma_start3A_44 = tpu.memref_slice %arg2[%dma_start3A_43, %mul3A_40] : memref<2x320000xi32, #tpu.memory_space<hbm>> -> memref<2x128xi32, #tpu.memory_space<hbm>>
    tpu.enqueue_dma source(%dma_start3A_44 : memref<2x128xi32, #tpu.memory_space<hbm>>) target(%arg6 : memref<2x128xi32, #tpu.memory_space<vmem>>) target_semaphore(%arg16 : memref<!tpu.dma_semaphore, #tpu.memory_space<semaphore_mem>>)
    %add3A_45 = arith.constant 2 : i32
    %add3A_46 = arith.addi %mul3A_2, %add3A_45 : i32
    %mul3A_47 = arith.constant 128 : i32
    %mul3A_48 = arith.muli %add3A_46, %mul3A_47 : i32
    %dma_start3A_49 = arith.constant 0 : i32
    %dma_start3A_50 = tpu.memref_slice %arg2[%dma_start3A_49, %mul3A_48] : memref<2x320000xi32, #tpu.memory_space<hbm>> -> memref<2x128xi32, #tpu.memory_space<hbm>>
    %dma_start3A_51 = arith.constant 0 : i32
    %dma_start3A_52 = tpu.memref_slice %arg2[%dma_start3A_51, %mul3A_48] : memref<2x320000xi32, #tpu.memory_space<hbm>> -> memref<2x128xi32, #tpu.memory_space<hbm>>
    tpu.enqueue_dma source(%dma_start3A_52 : memref<2x128xi32, #tpu.memory_space<hbm>>) target(%arg7 : memref<2x128xi32, #tpu.memory_space<vmem>>) target_semaphore(%arg17 : memref<!tpu.dma_semaphore, #tpu.memory_space<semaphore_mem>>)
    %add3A_53 = arith.constant 3 : i32
    %add3A_54 = arith.addi %mul3A_2, %add3A_53 : i32
    %mul3A_55 = arith.constant 128 : i32
    %mul3A_56 = arith.muli %add3A_54, %mul3A_55 : i32
    %dma_start3A_57 = arith.constant 0 : i32
    %dma_start3A_58 = tpu.memref_slice %arg2[%dma_start3A_57, %mul3A_56] : memref<2x320000xi32, #tpu.memory_space<hbm>> -> memref<2x128xi32, #tpu.memory_space<hbm>>
    %dma_start3A_59 = arith.constant 0 : i32
    %dma_start3A_60 = tpu.memref_slice %arg2[%dma_start3A_59, %mul3A_56] : memref<2x320000xi32, #tpu.memory_space<hbm>> -> memref<2x128xi32, #tpu.memory_space<hbm>>
    tpu.enqueue_dma source(%dma_start3A_60 : memref<2x128xi32, #tpu.memory_space<hbm>>) target(%arg8 : memref<2x128xi32, #tpu.memory_space<vmem>>) target_semaphore(%arg18 : memref<!tpu.dma_semaphore, #tpu.memory_space<semaphore_mem>>)
    %add3A_61 = arith.constant 4 : i32
    %add3A_62 = arith.addi %mul3A_2, %add3A_61 : i32
    %mul3A_63 = arith.constant 128 : i32
    %mul3A_64 = arith.muli %add3A_62, %mul3A_63 : i32
    %dma_start3A_65 = arith.constant 0 : i32
    %dma_start3A_66 = tpu.memref_slice %arg2[%dma_start3A_65, %mul3A_64] : memref<2x320000xi32, #tpu.memory_space<hbm>> -> memref<2x128xi32, #tpu.memory_space<hbm>>
    %dma_start3A_67 = arith.constant 0 : i32
    %dma_start3A_68 = tpu.memref_slice %arg2[%dma_start3A_67, %mul3A_64] : memref<2x320000xi32, #tpu.memory_space<hbm>> -> memref<2x128xi32, #tpu.memory_space<hbm>>
    tpu.enqueue_dma source(%dma_start3A_68 : memref<2x128xi32, #tpu.memory_space<hbm>>) target(%arg9 : memref<2x128xi32, #tpu.memory_space<vmem>>) target_semaphore(%arg19 : memref<!tpu.dma_semaphore, #tpu.memory_space<semaphore_mem>>)
    %add3A_69 = arith.constant 5 : i32
    %add3A_70 = arith.addi %mul3A_2, %add3A_69 : i32
    %mul3A_71 = arith.constant 128 : i32
    %mul3A_72 = arith.muli %add3A_70, %mul3A_71 : i32
    %dma_start3A_73 = arith.constant 0 : i32
    %dma_start3A_74 = tpu.memref_slice %arg2[%dma_start3A_73, %mul3A_72] : memref<2x320000xi32, #tpu.memory_space<hbm>> -> memref<2x128xi32, #tpu.memory_space<hbm>>
    %dma_start3A_75 = arith.constant 0 : i32
    %dma_start3A_76 = tpu.memref_slice %arg2[%dma_start3A_75, %mul3A_72] : memref<2x320000xi32, #tpu.memory_space<hbm>> -> memref<2x128xi32, #tpu.memory_space<hbm>>
    tpu.enqueue_dma source(%dma_start3A_76 : memref<2x128xi32, #tpu.memory_space<hbm>>) target(%arg10 : memref<2x128xi32, #tpu.memory_space<vmem>>) target_semaphore(%arg20 : memref<!tpu.dma_semaphore, #tpu.memory_space<semaphore_mem>>)
    %add3A_77 = arith.constant 0 : i32
    %add3A_78 = arith.addi %mul3A_2, %add3A_77 : i32
    %mul3A_79 = arith.constant 128 : i32
    %mul3A_80 = arith.muli %add3A_78, %mul3A_79 : i32
    %dma_wait3A = arith.constant 0 : i32
    %dma_wait3A_81 = tpu.memref_slice %arg2[%dma_wait3A, %mul3A_80] : memref<2x320000xi32, #tpu.memory_space<hbm>> -> memref<2x128xi32, #tpu.memory_space<hbm>>
    %dma_wait3A_82 = arith.constant 0 : i32
    %dma_wait3A_83 = tpu.memref_slice %arg2[%dma_wait3A_82, %mul3A_80] : memref<2x320000xi32, #tpu.memory_space<hbm>> -> memref<2x128xi32, #tpu.memory_space<hbm>>
    tpu.wait_dma2 semaphore(%arg15 : memref<!tpu.dma_semaphore, #tpu.memory_space<semaphore_mem>>) src(%dma_wait3A_83 : memref<2x128xi32, #tpu.memory_space<hbm>>) dst(%arg5 : memref<2x128xi32, #tpu.memory_space<vmem>>)
    %dma_start3A_84 = arith.constant 0 : i32
    %dma_start3A_85 = arith.constant 0 : i32
    %dma_start3A_86 = tpu.memref_slice %arg5[%dma_start3A_84, %dma_start3A_85] : memref<2x128xi32, #tpu.memory_space<vmem>> -> memref<1x128xi32, #tpu.memory_space<vmem>>
    %dma_start3A_87 = tpu.memref_squeeze %dma_start3A_86 : memref<1x128xi32, #tpu.memory_space<vmem>> -> memref<128xi32, #tpu.memory_space<vmem>>
    %dma_start3A_88 = arith.constant 0 : i32
    %dma_start3A_89 = arith.constant 0 : i32
    %dma_start3A_90 = tpu.memref_slice %arg3[%dma_start3A_88, %dma_start3A_89] : memref<10000x128xbf16, #tpu.memory_space<hbm>> -> memref<10000x128xbf16, #tpu.memory_space<hbm>>
    tpu.enqueue_indirect_dma source(%dma_start3A_90 : memref<10000x128xbf16, #tpu.memory_space<hbm>>) target(%arg11 : memref<128x128xbf16, #tpu.memory_space<vmem>>) offsets(%dma_start3A_87 : memref<128xi32, #tpu.memory_space<vmem>>) semaphore(%arg21 : memref<!tpu.dma_semaphore, #tpu.memory_space<semaphore_mem>>)
    %add3A_91 = arith.constant 1 : i32
    %add3A_92 = arith.addi %mul3A_2, %add3A_91 : i32
    %mul3A_93 = arith.constant 128 : i32
    %mul3A_94 = arith.muli %add3A_92, %mul3A_93 : i32
    %dma_wait3A_95 = arith.constant 0 : i32
    %dma_wait3A_96 = tpu.memref_slice %arg2[%dma_wait3A_95, %mul3A_94] : memref<2x320000xi32, #tpu.memory_space<hbm>> -> memref<2x128xi32, #tpu.memory_space<hbm>>
    %dma_wait3A_97 = arith.constant 0 : i32
    %dma_wait3A_98 = tpu.memref_slice %arg2[%dma_wait3A_97, %mul3A_94] : memref<2x320000xi32, #tpu.memory_space<hbm>> -> memref<2x128xi32, #tpu.memory_space<hbm>>
    tpu.wait_dma2 semaphore(%arg16 : memref<!tpu.dma_semaphore, #tpu.memory_space<semaphore_mem>>) src(%dma_wait3A_98 : memref<2x128xi32, #tpu.memory_space<hbm>>) dst(%arg6 : memref<2x128xi32, #tpu.memory_space<vmem>>)
    %dma_start3A_99 = arith.constant 0 : i32
    %dma_start3A_100 = arith.constant 0 : i32
    %dma_start3A_101 = tpu.memref_slice %arg6[%dma_start3A_99, %dma_start3A_100] : memref<2x128xi32, #tpu.memory_space<vmem>> -> memref<1x128xi32, #tpu.memory_space<vmem>>
    %dma_start3A_102 = tpu.memref_squeeze %dma_start3A_101 : memref<1x128xi32, #tpu.memory_space<vmem>> -> memref<128xi32, #tpu.memory_space<vmem>>
    %dma_start3A_103 = arith.constant 0 : i32
    %dma_start3A_104 = arith.constant 0 : i32
    %dma_start3A_105 = tpu.memref_slice %arg3[%dma_start3A_103, %dma_start3A_104] : memref<10000x128xbf16, #tpu.memory_space<hbm>> -> memref<10000x128xbf16, #tpu.memory_space<hbm>>
    tpu.enqueue_indirect_dma source(%dma_start3A_105 : memref<10000x128xbf16, #tpu.memory_space<hbm>>) target(%arg12 : memref<128x128xbf16, #tpu.memory_space<vmem>>) offsets(%dma_start3A_102 : memref<128xi32, #tpu.memory_space<vmem>>) semaphore(%arg22 : memref<!tpu.dma_semaphore, #tpu.memory_space<semaphore_mem>>)
    %scan3A_106 = arith.constant 0 : i32
    %scan3A_107 = arith.constant 13 : i32
    %scan3A_108 = arith.addi %scan3A_106, %scan3A_107 : i32
    %scan3A_109 = arith.constant 1 : i32
    scf.for %scan3A_125 = %scan3A_106 to %scan3A_108 step %scan3A_109  : i32 {
      %mul3A_126 = arith.constant 6 : i32
      %mul3A_127 = arith.muli %scan3A_125, %mul3A_126 : i32
      %add3A_128 = arith.constant 0 : i32
      %add3A_129 = arith.addi %add3A_128, %mul3A_127 : i32
      %add3A_130 = arith.constant 0 : i32
      %add3A_131 = arith.addi %add3A_129, %add3A_130 : i32
      %add3A_132 = arith.constant 2 : i32
      %add3A_133 = arith.addi %add3A_131, %add3A_132 : i32
      %lt3A_134 = arith.constant 78 : i32
      %lt3A_135 = arith.cmpi slt, %add3A_133, %lt3A_134 : i32
      %convert_element_type3A_136 = arith.extui %lt3A_135 : i1 to i32
      %cond3A_137 = arith.constant 0 : i32
      %cond3A_138 = arith.cmpi ne, %convert_element_type3A_136, %cond3A_137 : i32
      scf.if %cond3A_138 {
        %add3A_273 = arith.constant 2 : i32
        %add3A_274 = arith.addi %add3A_131, %add3A_273 : i32
        %add3A_275 = arith.addi %mul3A_2, %add3A_274 : i32
        %mul3A_276 = arith.constant 128 : i32
        %mul3A_277 = arith.muli %add3A_275, %mul3A_276 : i32
        %dma_wait3A_278 = arith.constant 0 : i32
        %dma_wait3A_279 = tpu.memref_slice %arg2[%dma_wait3A_278, %mul3A_277] : memref<2x320000xi32, #tpu.memory_space<hbm>> -> memref<2x128xi32, #tpu.memory_space<hbm>>
        %dma_wait3A_280 = arith.constant 0 : i32
        %dma_wait3A_281 = tpu.memref_slice %arg2[%dma_wait3A_280, %mul3A_277] : memref<2x320000xi32, #tpu.memory_space<hbm>> -> memref<2x128xi32, #tpu.memory_space<hbm>>
        tpu.wait_dma2 semaphore(%arg17 : memref<!tpu.dma_semaphore, #tpu.memory_space<semaphore_mem>>) src(%dma_wait3A_281 : memref<2x128xi32, #tpu.memory_space<hbm>>) dst(%arg7 : memref<2x128xi32, #tpu.memory_space<vmem>>)
        %dma_start3A_282 = arith.constant 0 : i32
        %dma_start3A_283 = arith.constant 0 : i32
        %dma_start3A_284 = tpu.memref_slice %arg7[%dma_start3A_282, %dma_start3A_283] : memref<2x128xi32, #tpu.memory_space<vmem>> -> memref<1x128xi32, #tpu.memory_space<vmem>>
        %dma_start3A_285 = tpu.memref_squeeze %dma_start3A_284 : memref<1x128xi32, #tpu.memory_space<vmem>> -> memref<128xi32, #tpu.memory_space<vmem>>
        %dma_start3A_286 = arith.constant 0 : i32
        %dma_start3A_287 = arith.constant 0 : i32
        %dma_start3A_288 = tpu.memref_slice %arg3[%dma_start3A_286, %dma_start3A_287] : memref<10000x128xbf16, #tpu.memory_space<hbm>> -> memref<10000x128xbf16, #tpu.memory_space<hbm>>
        tpu.enqueue_indirect_dma source(%dma_start3A_288 : memref<10000x128xbf16, #tpu.memory_space<hbm>>) target(%arg13 : memref<128x128xbf16, #tpu.memory_space<vmem>>) offsets(%dma_start3A_285 : memref<128xi32, #tpu.memory_space<vmem>>) semaphore(%arg23 : memref<!tpu.dma_semaphore, #tpu.memory_space<semaphore_mem>>)
      } else {
      }
      %dma_wait3A_139 = arith.constant 0 : i32
      %dma_wait3A_140 = arith.constant 0 : i32
      %dma_wait3A_141 = tpu.memref_slice %arg5[%dma_wait3A_139, %dma_wait3A_140] : memref<2x128xi32, #tpu.memory_space<vmem>> -> memref<1x128xi32, #tpu.memory_space<vmem>>
      %dma_wait3A_142 = tpu.memref_squeeze %dma_wait3A_141 : memref<1x128xi32, #tpu.memory_space<vmem>> -> memref<128xi32, #tpu.memory_space<vmem>>
      %dma_wait3A_143 = arith.constant 0 : i32
      %dma_wait3A_144 = arith.constant 0 : i32
      %dma_wait3A_145 = tpu.memref_slice %arg3[%dma_wait3A_143, %dma_wait3A_144] : memref<10000x128xbf16, #tpu.memory_space<hbm>> -> memref<10000x128xbf16, #tpu.memory_space<hbm>>
      tpu.wait_indirect_dma semaphore(%arg21 : memref<!tpu.dma_semaphore, #tpu.memory_space<semaphore_mem>>) src(%dma_wait3A_145 : memref<10000x128xbf16, #tpu.memory_space<hbm>>) dst(%arg11 : memref<128x128xbf16, #tpu.memory_space<vmem>>)
      %run_scoped3A = arith.constant 1 : i32
      "tpu.region"() ({
        %run_scoped3A_273 = tpu.sem_alloc : memref<!tpu.dma_semaphore, #tpu.memory_space<semaphore_mem>>
        %dma_start3A_274 = arith.constant 0 : i32
        %dma_start3A_275 = tpu.memref_slice %arg5[%run_scoped3A, %dma_start3A_274] : memref<2x128xi32, #tpu.memory_space<vmem>> -> memref<1x128xi32, #tpu.memory_space<vmem>>
        %dma_start3A_276 = tpu.memref_squeeze %dma_start3A_275 : memref<1x128xi32, #tpu.memory_space<vmem>> -> memref<128xi32, #tpu.memory_space<vmem>>
        %dma_start3A_277 = arith.constant 0 : i32
        %dma_start3A_278 = arith.constant 0 : i32
        %dma_start3A_279 = tpu.memref_slice %arg14[%dma_start3A_277, %dma_start3A_278] : memref<10000x128xbf16, #tpu.memory_space<vmem_shared>> -> memref<10000x128xbf16, #tpu.memory_space<vmem_shared>>
        tpu.enqueue_indirect_dma source(%arg11 : memref<128x128xbf16, #tpu.memory_space<vmem>>) target(%dma_start3A_279 : memref<10000x128xbf16, #tpu.memory_space<vmem_shared>>) offsets(%dma_start3A_276 : memref<128xi32, #tpu.memory_space<vmem>>) semaphore(%run_scoped3A_273 : memref<!tpu.dma_semaphore, #tpu.memory_space<semaphore_mem>>) {add = true}
        %dma_wait3A_280 = arith.constant 0 : i32
        %dma_wait3A_281 = tpu.memref_slice %arg5[%run_scoped3A, %dma_wait3A_280] : memref<2x128xi32, #tpu.memory_space<vmem>> -> memref<1x128xi32, #tpu.memory_space<vmem>>
        %dma_wait3A_282 = tpu.memref_squeeze %dma_wait3A_281 : memref<1x128xi32, #tpu.memory_space<vmem>> -> memref<128xi32, #tpu.memory_space<vmem>>
        %dma_wait3A_283 = arith.constant 0 : i32
        %dma_wait3A_284 = arith.constant 0 : i32
        %dma_wait3A_285 = tpu.memref_slice %arg14[%dma_wait3A_283, %dma_wait3A_284] : memref<10000x128xbf16, #tpu.memory_space<vmem_shared>> -> memref<10000x128xbf16, #tpu.memory_space<vmem_shared>>
        tpu.wait_indirect_dma semaphore(%run_scoped3A_273 : memref<!tpu.dma_semaphore, #tpu.memory_space<semaphore_mem>>) src(%arg11 : memref<128x128xbf16, #tpu.memory_space<vmem>>) dst(%dma_wait3A_285 : memref<10000x128xbf16, #tpu.memory_space<vmem_shared>>)
        tpu.yield
      }) : () -> ()
      %add3A_146 = arith.constant 6 : i32
      %add3A_147 = arith.addi %add3A_131, %add3A_146 : i32
      %lt3A_148 = arith.constant 78 : i32
      %lt3A_149 = arith.cmpi slt, %add3A_147, %lt3A_148 : i32
      %convert_element_type3A_150 = arith.extui %lt3A_149 : i1 to i32
      %cond3A_151 = arith.constant 0 : i32
      %cond3A_152 = arith.cmpi ne, %convert_element_type3A_150, %cond3A_151 : i32
      scf.if %cond3A_152 {
        %add3A_273 = arith.constant 6 : i32
        %add3A_274 = arith.addi %add3A_131, %add3A_273 : i32
        %add3A_275 = arith.addi %mul3A_2, %add3A_274 : i32
        %mul3A_276 = arith.constant 128 : i32
        %mul3A_277 = arith.muli %add3A_275, %mul3A_276 : i32
        %dma_start3A_278 = arith.constant 0 : i32
        %dma_start3A_279 = tpu.memref_slice %arg2[%dma_start3A_278, %mul3A_277] : memref<2x320000xi32, #tpu.memory_space<hbm>> -> memref<2x128xi32, #tpu.memory_space<hbm>>
        %dma_start3A_280 = arith.constant 0 : i32
        %dma_start3A_281 = tpu.memref_slice %arg2[%dma_start3A_280, %mul3A_277] : memref<2x320000xi32, #tpu.memory_space<hbm>> -> memref<2x128xi32, #tpu.memory_space<hbm>>
        tpu.enqueue_dma source(%dma_start3A_281 : memref<2x128xi32, #tpu.memory_space<hbm>>) target(%arg5 : memref<2x128xi32, #tpu.memory_space<vmem>>) target_semaphore(%arg15 : memref<!tpu.dma_semaphore, #tpu.memory_space<semaphore_mem>>)
      } else {
      }
      %add3A_153 = arith.constant 1 : i32
      %add3A_154 = arith.addi %add3A_129, %add3A_153 : i32
      %add3A_155 = arith.constant 2 : i32
      %add3A_156 = arith.addi %add3A_154, %add3A_155 : i32
      %lt3A_157 = arith.constant 78 : i32
      %lt3A_158 = arith.cmpi slt, %add3A_156, %lt3A_157 : i32
      %convert_element_type3A_159 = arith.extui %lt3A_158 : i1 to i32
      %cond3A_160 = arith.constant 0 : i32
      %cond3A_161 = arith.cmpi ne, %convert_element_type3A_159, %cond3A_160 : i32
      scf.if %cond3A_161 {
        %add3A_273 = arith.constant 2 : i32
        %add3A_274 = arith.addi %add3A_154, %add3A_273 : i32
        %add3A_275 = arith.addi %mul3A_2, %add3A_274 : i32
        %mul3A_276 = arith.constant 128 : i32
        %mul3A_277 = arith.muli %add3A_275, %mul3A_276 : i32
        %dma_wait3A_278 = arith.constant 0 : i32
        %dma_wait3A_279 = tpu.memref_slice %arg2[%dma_wait3A_278, %mul3A_277] : memref<2x320000xi32, #tpu.memory_space<hbm>> -> memref<2x128xi32, #tpu.memory_space<hbm>>
        %dma_wait3A_280 = arith.constant 0 : i32
        %dma_wait3A_281 = tpu.memref_slice %arg2[%dma_wait3A_280, %mul3A_277] : memref<2x320000xi32, #tpu.memory_space<hbm>> -> memref<2x128xi32, #tpu.memory_space<hbm>>
        tpu.wait_dma2 semaphore(%arg18 : memref<!tpu.dma_semaphore, #tpu.memory_space<semaphore_mem>>) src(%dma_wait3A_281 : memref<2x128xi32, #tpu.memory_space<hbm>>) dst(%arg8 : memref<2x128xi32, #tpu.memory_space<vmem>>)
        %dma_start3A_282 = arith.constant 0 : i32
        %dma_start3A_283 = arith.constant 0 : i32
        %dma_start3A_284 = tpu.memref_slice %arg8[%dma_start3A_282, %dma_start3A_283] : memref<2x128xi32, #tpu.memory_space<vmem>> -> memref<1x128xi32, #tpu.memory_space<vmem>>
        %dma_start3A_285 = tpu.memref_squeeze %dma_start3A_284 : memref<1x128xi32, #tpu.memory_space<vmem>> -> memref<128xi32, #tpu.memory_space<vmem>>
        %dma_start3A_286 = arith.constant 0 : i32
        %dma_start3A_287 = arith.constant 0 : i32
        %dma_start3A_288 = tpu.memref_slice %arg3[%dma_start3A_286, %dma_start3A_287] : memref<10000x128xbf16, #tpu.memory_space<hbm>> -> memref<10000x128xbf16, #tpu.memory_space<hbm>>
        tpu.enqueue_indirect_dma source(%dma_start3A_288 : memref<10000x128xbf16, #tpu.memory_space<hbm>>) target(%arg11 : memref<128x128xbf16, #tpu.memory_space<vmem>>) offsets(%dma_start3A_285 : memref<128xi32, #tpu.memory_space<vmem>>) semaphore(%arg21 : memref<!tpu.dma_semaphore, #tpu.memory_space<semaphore_mem>>)
      } else {
      }
      %dma_wait3A_162 = arith.constant 0 : i32
      %dma_wait3A_163 = arith.constant 0 : i32
      %dma_wait3A_164 = tpu.memref_slice %arg6[%dma_wait3A_162, %dma_wait3A_163] : memref<2x128xi32, #tpu.memory_space<vmem>> -> memref<1x128xi32, #tpu.memory_space<vmem>>
      %dma_wait3A_165 = tpu.memref_squeeze %dma_wait3A_164 : memref<1x128xi32, #tpu.memory_space<vmem>> -> memref<128xi32, #tpu.memory_space<vmem>>
      %dma_wait3A_166 = arith.constant 0 : i32
      %dma_wait3A_167 = arith.constant 0 : i32
      %dma_wait3A_168 = tpu.memref_slice %arg3[%dma_wait3A_166, %dma_wait3A_167] : memref<10000x128xbf16, #tpu.memory_space<hbm>> -> memref<10000x128xbf16, #tpu.memory_space<hbm>>
      tpu.wait_indirect_dma semaphore(%arg22 : memref<!tpu.dma_semaphore, #tpu.memory_space<semaphore_mem>>) src(%dma_wait3A_168 : memref<10000x128xbf16, #tpu.memory_space<hbm>>) dst(%arg12 : memref<128x128xbf16, #tpu.memory_space<vmem>>)
      %run_scoped3A_169 = arith.constant 1 : i32
      "tpu.region"() ({
        %run_scoped3A_273 = tpu.sem_alloc : memref<!tpu.dma_semaphore, #tpu.memory_space<semaphore_mem>>
        %dma_start3A_274 = arith.constant 0 : i32
        %dma_start3A_275 = tpu.memref_slice %arg6[%run_scoped3A_169, %dma_start3A_274] : memref<2x128xi32, #tpu.memory_space<vmem>> -> memref<1x128xi32, #tpu.memory_space<vmem>>
        %dma_start3A_276 = tpu.memref_squeeze %dma_start3A_275 : memref<1x128xi32, #tpu.memory_space<vmem>> -> memref<128xi32, #tpu.memory_space<vmem>>
        %dma_start3A_277 = arith.constant 0 : i32
        %dma_start3A_278 = arith.constant 0 : i32
        %dma_start3A_279 = tpu.memref_slice %arg14[%dma_start3A_277, %dma_start3A_278] : memref<10000x128xbf16, #tpu.memory_space<vmem_shared>> -> memref<10000x128xbf16, #tpu.memory_space<vmem_shared>>
        tpu.enqueue_indirect_dma source(%arg12 : memref<128x128xbf16, #tpu.memory_space<vmem>>) target(%dma_start3A_279 : memref<10000x128xbf16, #tpu.memory_space<vmem_shared>>) offsets(%dma_start3A_276 : memref<128xi32, #tpu.memory_space<vmem>>) semaphore(%run_scoped3A_273 : memref<!tpu.dma_semaphore, #tpu.memory_space<semaphore_mem>>) {add = true}
        %dma_wait3A_280 = arith.constant 0 : i32
        %dma_wait3A_281 = tpu.memref_slice %arg6[%run_scoped3A_169, %dma_wait3A_280] : memref<2x128xi32, #tpu.memory_space<vmem>> -> memref<1x128xi32, #tpu.memory_space<vmem>>
        %dma_wait3A_282 = tpu.memref_squeeze %dma_wait3A_281 : memref<1x128xi32, #tpu.memory_space<vmem>> -> memref<128xi32, #tpu.memory_space<vmem>>
        %dma_wait3A_283 = arith.constant 0 : i32
        %dma_wait3A_284 = arith.constant 0 : i32
        %dma_wait3A_285 = tpu.memref_slice %arg14[%dma_wait3A_283, %dma_wait3A_284] : memref<10000x128xbf16, #tpu.memory_space<vmem_shared>> -> memref<10000x128xbf16, #tpu.memory_space<vmem_shared>>
        tpu.wait_indirect_dma semaphore(%run_scoped3A_273 : memref<!tpu.dma_semaphore, #tpu.memory_space<semaphore_mem>>) src(%arg12 : memref<128x128xbf16, #tpu.memory_space<vmem>>) dst(%dma_wait3A_285 : memref<10000x128xbf16, #tpu.memory_space<vmem_shared>>)
        tpu.yield
      }) : () -> ()
      %add3A_170 = arith.constant 6 : i32
      %add3A_171 = arith.addi %add3A_154, %add3A_170 : i32
      %lt3A_172 = arith.constant 78 : i32
      %lt3A_173 = arith.cmpi slt, %add3A_171, %lt3A_172 : i32
      %convert_element_type3A_174 = arith.extui %lt3A_173 : i1 to i32
      %cond3A_175 = arith.constant 0 : i32
      %cond3A_176 = arith.cmpi ne, %convert_element_type3A_174, %cond3A_175 : i32
      scf.if %cond3A_176 {
        %add3A_273 = arith.constant 6 : i32
        %add3A_274 = arith.addi %add3A_154, %add3A_273 : i32
        %add3A_275 = arith.addi %mul3A_2, %add3A_274 : i32
        %mul3A_276 = arith.constant 128 : i32
        %mul3A_277 = arith.muli %add3A_275, %mul3A_276 : i32
        %dma_start3A_278 = arith.constant 0 : i32
        %dma_start3A_279 = tpu.memref_slice %arg2[%dma_start3A_278, %mul3A_277] : memref<2x320000xi32, #tpu.memory_space<hbm>> -> memref<2x128xi32, #tpu.memory_space<hbm>>
        %dma_start3A_280 = arith.constant 0 : i32
        %dma_start3A_281 = tpu.memref_slice %arg2[%dma_start3A_280, %mul3A_277] : memref<2x320000xi32, #tpu.memory_space<hbm>> -> memref<2x128xi32, #tpu.memory_space<hbm>>
        tpu.enqueue_dma source(%dma_start3A_281 : memref<2x128xi32, #tpu.memory_space<hbm>>) target(%arg6 : memref<2x128xi32, #tpu.memory_space<vmem>>) target_semaphore(%arg16 : memref<!tpu.dma_semaphore, #tpu.memory_space<semaphore_mem>>)
      } else {
      }
      %add3A_177 = arith.constant 2 : i32
      %add3A_178 = arith.addi %add3A_129, %add3A_177 : i32
      %add3A_179 = arith.constant 2 : i32
      %add3A_180 = arith.addi %add3A_178, %add3A_179 : i32
      %lt3A_181 = arith.constant 78 : i32
      %lt3A_182 = arith.cmpi slt, %add3A_180, %lt3A_181 : i32
      %convert_element_type3A_183 = arith.extui %lt3A_182 : i1 to i32
      %cond3A_184 = arith.constant 0 : i32
      %cond3A_185 = arith.cmpi ne, %convert_element_type3A_183, %cond3A_184 : i32
      scf.if %cond3A_185 {
        %add3A_273 = arith.constant 2 : i32
        %add3A_274 = arith.addi %add3A_178, %add3A_273 : i32
        %add3A_275 = arith.addi %mul3A_2, %add3A_274 : i32
        %mul3A_276 = arith.constant 128 : i32
        %mul3A_277 = arith.muli %add3A_275, %mul3A_276 : i32
        %dma_wait3A_278 = arith.constant 0 : i32
        %dma_wait3A_279 = tpu.memref_slice %arg2[%dma_wait3A_278, %mul3A_277] : memref<2x320000xi32, #tpu.memory_space<hbm>> -> memref<2x128xi32, #tpu.memory_space<hbm>>
        %dma_wait3A_280 = arith.constant 0 : i32
        %dma_wait3A_281 = tpu.memref_slice %arg2[%dma_wait3A_280, %mul3A_277] : memref<2x320000xi32, #tpu.memory_space<hbm>> -> memref<2x128xi32, #tpu.memory_space<hbm>>
        tpu.wait_dma2 semaphore(%arg19 : memref<!tpu.dma_semaphore, #tpu.memory_space<semaphore_mem>>) src(%dma_wait3A_281 : memref<2x128xi32, #tpu.memory_space<hbm>>) dst(%arg9 : memref<2x128xi32, #tpu.memory_space<vmem>>)
        %dma_start3A_282 = arith.constant 0 : i32
        %dma_start3A_283 = arith.constant 0 : i32
        %dma_start3A_284 = tpu.memref_slice %arg9[%dma_start3A_282, %dma_start3A_283] : memref<2x128xi32, #tpu.memory_space<vmem>> -> memref<1x128xi32, #tpu.memory_space<vmem>>
        %dma_start3A_285 = tpu.memref_squeeze %dma_start3A_284 : memref<1x128xi32, #tpu.memory_space<vmem>> -> memref<128xi32, #tpu.memory_space<vmem>>
        %dma_start3A_286 = arith.constant 0 : i32
        %dma_start3A_287 = arith.constant 0 : i32
        %dma_start3A_288 = tpu.memref_slice %arg3[%dma_start3A_286, %dma_start3A_287] : memref<10000x128xbf16, #tpu.memory_space<hbm>> -> memref<10000x128xbf16, #tpu.memory_space<hbm>>
        tpu.enqueue_indirect_dma source(%dma_start3A_288 : memref<10000x128xbf16, #tpu.memory_space<hbm>>) target(%arg12 : memref<128x128xbf16, #tpu.memory_space<vmem>>) offsets(%dma_start3A_285 : memref<128xi32, #tpu.memory_space<vmem>>) semaphore(%arg22 : memref<!tpu.dma_semaphore, #tpu.memory_space<semaphore_mem>>)
      } else {
      }
      %dma_wait3A_186 = arith.constant 0 : i32
      %dma_wait3A_187 = arith.constant 0 : i32
      %dma_wait3A_188 = tpu.memref_slice %arg7[%dma_wait3A_186, %dma_wait3A_187] : memref<2x128xi32, #tpu.memory_space<vmem>> -> memref<1x128xi32, #tpu.memory_space<vmem>>
      %dma_wait3A_189 = tpu.memref_squeeze %dma_wait3A_188 : memref<1x128xi32, #tpu.memory_space<vmem>> -> memref<128xi32, #tpu.memory_space<vmem>>
      %dma_wait3A_190 = arith.constant 0 : i32
      %dma_wait3A_191 = arith.constant 0 : i32
      %dma_wait3A_192 = tpu.memref_slice %arg3[%dma_wait3A_190, %dma_wait3A_191] : memref<10000x128xbf16, #tpu.memory_space<hbm>> -> memref<10000x128xbf16, #tpu.memory_space<hbm>>
      tpu.wait_indirect_dma semaphore(%arg23 : memref<!tpu.dma_semaphore, #tpu.memory_space<semaphore_mem>>) src(%dma_wait3A_192 : memref<10000x128xbf16, #tpu.memory_space<hbm>>) dst(%arg13 : memref<128x128xbf16, #tpu.memory_space<vmem>>)
      %run_scoped3A_193 = arith.constant 1 : i32
      "tpu.region"() ({
        %run_scoped3A_273 = tpu.sem_alloc : memref<!tpu.dma_semaphore, #tpu.memory_space<semaphore_mem>>
        %dma_start3A_274 = arith.constant 0 : i32
        %dma_start3A_275 = tpu.memref_slice %arg7[%run_scoped3A_193, %dma_start3A_274] : memref<2x128xi32, #tpu.memory_space<vmem>> -> memref<1x128xi32, #tpu.memory_space<vmem>>
        %dma_start3A_276 = tpu.memref_squeeze %dma_start3A_275 : memref<1x128xi32, #tpu.memory_space<vmem>> -> memref<128xi32, #tpu.memory_space<vmem>>
        %dma_start3A_277 = arith.constant 0 : i32
        %dma_start3A_278 = arith.constant 0 : i32
        %dma_start3A_279 = tpu.memref_slice %arg14[%dma_start3A_277, %dma_start3A_278] : memref<10000x128xbf16, #tpu.memory_space<vmem_shared>> -> memref<10000x128xbf16, #tpu.memory_space<vmem_shared>>
        tpu.enqueue_indirect_dma source(%arg13 : memref<128x128xbf16, #tpu.memory_space<vmem>>) target(%dma_start3A_279 : memref<10000x128xbf16, #tpu.memory_space<vmem_shared>>) offsets(%dma_start3A_276 : memref<128xi32, #tpu.memory_space<vmem>>) semaphore(%run_scoped3A_273 : memref<!tpu.dma_semaphore, #tpu.memory_space<semaphore_mem>>) {add = true}
        %dma_wait3A_280 = arith.constant 0 : i32
        %dma_wait3A_281 = tpu.memref_slice %arg7[%run_scoped3A_193, %dma_wait3A_280] : memref<2x128xi32, #tpu.memory_space<vmem>> -> memref<1x128xi32, #tpu.memory_space<vmem>>
        %dma_wait3A_282 = tpu.memref_squeeze %dma_wait3A_281 : memref<1x128xi32, #tpu.memory_space<vmem>> -> memref<128xi32, #tpu.memory_space<vmem>>
        %dma_wait3A_283 = arith.constant 0 : i32
        %dma_wait3A_284 = arith.constant 0 : i32
        %dma_wait3A_285 = tpu.memref_slice %arg14[%dma_wait3A_283, %dma_wait3A_284] : memref<10000x128xbf16, #tpu.memory_space<vmem_shared>> -> memref<10000x128xbf16, #tpu.memory_space<vmem_shared>>
        tpu.wait_indirect_dma semaphore(%run_scoped3A_273 : memref<!tpu.dma_semaphore, #tpu.memory_space<semaphore_mem>>) src(%arg13 : memref<128x128xbf16, #tpu.memory_space<vmem>>) dst(%dma_wait3A_285 : memref<10000x128xbf16, #tpu.memory_space<vmem_shared>>)
        tpu.yield
      }) : () -> ()
      %add3A_194 = arith.constant 6 : i32
      %add3A_195 = arith.addi %add3A_178, %add3A_194 : i32
      %lt3A_196 = arith.constant 78 : i32
      %lt3A_197 = arith.cmpi slt, %add3A_195, %lt3A_196 : i32
      %convert_element_type3A_198 = arith.extui %lt3A_197 : i1 to i32
      %cond3A_199 = arith.constant 0 : i32
      %cond3A_200 = arith.cmpi ne, %convert_element_type3A_198, %cond3A_199 : i32
      scf.if %cond3A_200 {
        %add3A_273 = arith.constant 6 : i32
        %add3A_274 = arith.addi %add3A_178, %add3A_273 : i32
        %add3A_275 = arith.addi %mul3A_2, %add3A_274 : i32
        %mul3A_276 = arith.constant 128 : i32
        %mul3A_277 = arith.muli %add3A_275, %mul3A_276 : i32
        %dma_start3A_278 = arith.constant 0 : i32
        %dma_start3A_279 = tpu.memref_slice %arg2[%dma_start3A_278, %mul3A_277] : memref<2x320000xi32, #tpu.memory_space<hbm>> -> memref<2x128xi32, #tpu.memory_space<hbm>>
        %dma_start3A_280 = arith.constant 0 : i32
        %dma_start3A_281 = tpu.memref_slice %arg2[%dma_start3A_280, %mul3A_277] : memref<2x320000xi32, #tpu.memory_space<hbm>> -> memref<2x128xi32, #tpu.memory_space<hbm>>
        tpu.enqueue_dma source(%dma_start3A_281 : memref<2x128xi32, #tpu.memory_space<hbm>>) target(%arg7 : memref<2x128xi32, #tpu.memory_space<vmem>>) target_semaphore(%arg17 : memref<!tpu.dma_semaphore, #tpu.memory_space<semaphore_mem>>)
      } else {
      }
      %add3A_201 = arith.constant 3 : i32
      %add3A_202 = arith.addi %add3A_129, %add3A_201 : i32
      %add3A_203 = arith.constant 2 : i32
      %add3A_204 = arith.addi %add3A_202, %add3A_203 : i32
      %lt3A_205 = arith.constant 78 : i32
      %lt3A_206 = arith.cmpi slt, %add3A_204, %lt3A_205 : i32
      %convert_element_type3A_207 = arith.extui %lt3A_206 : i1 to i32
      %cond3A_208 = arith.constant 0 : i32
      %cond3A_209 = arith.cmpi ne, %convert_element_type3A_207, %cond3A_208 : i32
      scf.if %cond3A_209 {
        %add3A_273 = arith.constant 2 : i32
        %add3A_274 = arith.addi %add3A_202, %add3A_273 : i32
        %add3A_275 = arith.addi %mul3A_2, %add3A_274 : i32
        %mul3A_276 = arith.constant 128 : i32
        %mul3A_277 = arith.muli %add3A_275, %mul3A_276 : i32
        %dma_wait3A_278 = arith.constant 0 : i32
        %dma_wait3A_279 = tpu.memref_slice %arg2[%dma_wait3A_278, %mul3A_277] : memref<2x320000xi32, #tpu.memory_space<hbm>> -> memref<2x128xi32, #tpu.memory_space<hbm>>
        %dma_wait3A_280 = arith.constant 0 : i32
        %dma_wait3A_281 = tpu.memref_slice %arg2[%dma_wait3A_280, %mul3A_277] : memref<2x320000xi32, #tpu.memory_space<hbm>> -> memref<2x128xi32, #tpu.memory_space<hbm>>
        tpu.wait_dma2 semaphore(%arg20 : memref<!tpu.dma_semaphore, #tpu.memory_space<semaphore_mem>>) src(%dma_wait3A_281 : memref<2x128xi32, #tpu.memory_space<hbm>>) dst(%arg10 : memref<2x128xi32, #tpu.memory_space<vmem>>)
        %dma_start3A_282 = arith.constant 0 : i32
        %dma_start3A_283 = arith.constant 0 : i32
        %dma_start3A_284 = tpu.memref_slice %arg10[%dma_start3A_282, %dma_start3A_283] : memref<2x128xi32, #tpu.memory_space<vmem>> -> memref<1x128xi32, #tpu.memory_space<vmem>>
        %dma_start3A_285 = tpu.memref_squeeze %dma_start3A_284 : memref<1x128xi32, #tpu.memory_space<vmem>> -> memref<128xi32, #tpu.memory_space<vmem>>
        %dma_start3A_286 = arith.constant 0 : i32
        %dma_start3A_287 = arith.constant 0 : i32
        %dma_start3A_288 = tpu.memref_slice %arg3[%dma_start3A_286, %dma_start3A_287] : memref<10000x128xbf16, #tpu.memory_space<hbm>> -> memref<10000x128xbf16, #tpu.memory_space<hbm>>
        tpu.enqueue_indirect_dma source(%dma_start3A_288 : memref<10000x128xbf16, #tpu.memory_space<hbm>>) target(%arg13 : memref<128x128xbf16, #tpu.memory_space<vmem>>) offsets(%dma_start3A_285 : memref<128xi32, #tpu.memory_space<vmem>>) semaphore(%arg23 : memref<!tpu.dma_semaphore, #tpu.memory_space<semaphore_mem>>)
      } else {
      }
      %dma_wait3A_210 = arith.constant 0 : i32
      %dma_wait3A_211 = arith.constant 0 : i32
      %dma_wait3A_212 = tpu.memref_slice %arg8[%dma_wait3A_210, %dma_wait3A_211] : memref<2x128xi32, #tpu.memory_space<vmem>> -> memref<1x128xi32, #tpu.memory_space<vmem>>
      %dma_wait3A_213 = tpu.memref_squeeze %dma_wait3A_212 : memref<1x128xi32, #tpu.memory_space<vmem>> -> memref<128xi32, #tpu.memory_space<vmem>>
      %dma_wait3A_214 = arith.constant 0 : i32
      %dma_wait3A_215 = arith.constant 0 : i32
      %dma_wait3A_216 = tpu.memref_slice %arg3[%dma_wait3A_214, %dma_wait3A_215] : memref<10000x128xbf16, #tpu.memory_space<hbm>> -> memref<10000x128xbf16, #tpu.memory_space<hbm>>
      tpu.wait_indirect_dma semaphore(%arg21 : memref<!tpu.dma_semaphore, #tpu.memory_space<semaphore_mem>>) src(%dma_wait3A_216 : memref<10000x128xbf16, #tpu.memory_space<hbm>>) dst(%arg11 : memref<128x128xbf16, #tpu.memory_space<vmem>>)
      %run_scoped3A_217 = arith.constant 1 : i32
      "tpu.region"() ({
        %run_scoped3A_273 = tpu.sem_alloc : memref<!tpu.dma_semaphore, #tpu.memory_space<semaphore_mem>>
        %dma_start3A_274 = arith.constant 0 : i32
        %dma_start3A_275 = tpu.memref_slice %arg8[%run_scoped3A_217, %dma_start3A_274] : memref<2x128xi32, #tpu.memory_space<vmem>> -> memref<1x128xi32, #tpu.memory_space<vmem>>
        %dma_start3A_276 = tpu.memref_squeeze %dma_start3A_275 : memref<1x128xi32, #tpu.memory_space<vmem>> -> memref<128xi32, #tpu.memory_space<vmem>>
        %dma_start3A_277 = arith.constant 0 : i32
        %dma_start3A_278 = arith.constant 0 : i32
        %dma_start3A_279 = tpu.memref_slice %arg14[%dma_start3A_277, %dma_start3A_278] : memref<10000x128xbf16, #tpu.memory_space<vmem_shared>> -> memref<10000x128xbf16, #tpu.memory_space<vmem_shared>>
        tpu.enqueue_indirect_dma source(%arg11 : memref<128x128xbf16, #tpu.memory_space<vmem>>) target(%dma_start3A_279 : memref<10000x128xbf16, #tpu.memory_space<vmem_shared>>) offsets(%dma_start3A_276 : memref<128xi32, #tpu.memory_space<vmem>>) semaphore(%run_scoped3A_273 : memref<!tpu.dma_semaphore, #tpu.memory_space<semaphore_mem>>) {add = true}
        %dma_wait3A_280 = arith.constant 0 : i32
        %dma_wait3A_281 = tpu.memref_slice %arg8[%run_scoped3A_217, %dma_wait3A_280] : memref<2x128xi32, #tpu.memory_space<vmem>> -> memref<1x128xi32, #tpu.memory_space<vmem>>
        %dma_wait3A_282 = tpu.memref_squeeze %dma_wait3A_281 : memref<1x128xi32, #tpu.memory_space<vmem>> -> memref<128xi32, #tpu.memory_space<vmem>>
        %dma_wait3A_283 = arith.constant 0 : i32
        %dma_wait3A_284 = arith.constant 0 : i32
        %dma_wait3A_285 = tpu.memref_slice %arg14[%dma_wait3A_283, %dma_wait3A_284] : memref<10000x128xbf16, #tpu.memory_space<vmem_shared>> -> memref<10000x128xbf16, #tpu.memory_space<vmem_shared>>
        tpu.wait_indirect_dma semaphore(%run_scoped3A_273 : memref<!tpu.dma_semaphore, #tpu.memory_space<semaphore_mem>>) src(%arg11 : memref<128x128xbf16, #tpu.memory_space<vmem>>) dst(%dma_wait3A_285 : memref<10000x128xbf16, #tpu.memory_space<vmem_shared>>)
        tpu.yield
      }) : () -> ()
      %add3A_218 = arith.constant 6 : i32
      %add3A_219 = arith.addi %add3A_202, %add3A_218 : i32
      %lt3A_220 = arith.constant 78 : i32
      %lt3A_221 = arith.cmpi slt, %add3A_219, %lt3A_220 : i32
      %convert_element_type3A_222 = arith.extui %lt3A_221 : i1 to i32
      %cond3A_223 = arith.constant 0 : i32
      %cond3A_224 = arith.cmpi ne, %convert_element_type3A_222, %cond3A_223 : i32
      scf.if %cond3A_224 {
        %add3A_273 = arith.constant 6 : i32
        %add3A_274 = arith.addi %add3A_202, %add3A_273 : i32
        %add3A_275 = arith.addi %mul3A_2, %add3A_274 : i32
        %mul3A_276 = arith.constant 128 : i32
        %mul3A_277 = arith.muli %add3A_275, %mul3A_276 : i32
        %dma_start3A_278 = arith.constant 0 : i32
        %dma_start3A_279 = tpu.memref_slice %arg2[%dma_start3A_278, %mul3A_277] : memref<2x320000xi32, #tpu.memory_space<hbm>> -> memref<2x128xi32, #tpu.memory_space<hbm>>
        %dma_start3A_280 = arith.constant 0 : i32
        %dma_start3A_281 = tpu.memref_slice %arg2[%dma_start3A_280, %mul3A_277] : memref<2x320000xi32, #tpu.memory_space<hbm>> -> memref<2x128xi32, #tpu.memory_space<hbm>>
        tpu.enqueue_dma source(%dma_start3A_281 : memref<2x128xi32, #tpu.memory_space<hbm>>) target(%arg8 : memref<2x128xi32, #tpu.memory_space<vmem>>) target_semaphore(%arg18 : memref<!tpu.dma_semaphore, #tpu.memory_space<semaphore_mem>>)
      } else {
      }
      %add3A_225 = arith.constant 4 : i32
      %add3A_226 = arith.addi %add3A_129, %add3A_225 : i32
      %add3A_227 = arith.constant 2 : i32
      %add3A_228 = arith.addi %add3A_226, %add3A_227 : i32
      %lt3A_229 = arith.constant 78 : i32
      %lt3A_230 = arith.cmpi slt, %add3A_228, %lt3A_229 : i32
      %convert_element_type3A_231 = arith.extui %lt3A_230 : i1 to i32
      %cond3A_232 = arith.constant 0 : i32
      %cond3A_233 = arith.cmpi ne, %convert_element_type3A_231, %cond3A_232 : i32
      scf.if %cond3A_233 {
        %add3A_273 = arith.constant 2 : i32
        %add3A_274 = arith.addi %add3A_226, %add3A_273 : i32
        %add3A_275 = arith.addi %mul3A_2, %add3A_274 : i32
        %mul3A_276 = arith.constant 128 : i32
        %mul3A_277 = arith.muli %add3A_275, %mul3A_276 : i32
        %dma_wait3A_278 = arith.constant 0 : i32
        %dma_wait3A_279 = tpu.memref_slice %arg2[%dma_wait3A_278, %mul3A_277] : memref<2x320000xi32, #tpu.memory_space<hbm>> -> memref<2x128xi32, #tpu.memory_space<hbm>>
        %dma_wait3A_280 = arith.constant 0 : i32
        %dma_wait3A_281 = tpu.memref_slice %arg2[%dma_wait3A_280, %mul3A_277] : memref<2x320000xi32, #tpu.memory_space<hbm>> -> memref<2x128xi32, #tpu.memory_space<hbm>>
        tpu.wait_dma2 semaphore(%arg15 : memref<!tpu.dma_semaphore, #tpu.memory_space<semaphore_mem>>) src(%dma_wait3A_281 : memref<2x128xi32, #tpu.memory_space<hbm>>) dst(%arg5 : memref<2x128xi32, #tpu.memory_space<vmem>>)
        %dma_start3A_282 = arith.constant 0 : i32
        %dma_start3A_283 = arith.constant 0 : i32
        %dma_start3A_284 = tpu.memref_slice %arg5[%dma_start3A_282, %dma_start3A_283] : memref<2x128xi32, #tpu.memory_space<vmem>> -> memref<1x128xi32, #tpu.memory_space<vmem>>
        %dma_start3A_285 = tpu.memref_squeeze %dma_start3A_284 : memref<1x128xi32, #tpu.memory_space<vmem>> -> memref<128xi32, #tpu.memory_space<vmem>>
        %dma_start3A_286 = arith.constant 0 : i32
        %dma_start3A_287 = arith.constant 0 : i32
        %dma_start3A_288 = tpu.memref_slice %arg3[%dma_start3A_286, %dma_start3A_287] : memref<10000x128xbf16, #tpu.memory_space<hbm>> -> memref<10000x128xbf16, #tpu.memory_space<hbm>>
        tpu.enqueue_indirect_dma source(%dma_start3A_288 : memref<10000x128xbf16, #tpu.memory_space<hbm>>) target(%arg11 : memref<128x128xbf16, #tpu.memory_space<vmem>>) offsets(%dma_start3A_285 : memref<128xi32, #tpu.memory_space<vmem>>) semaphore(%arg21 : memref<!tpu.dma_semaphore, #tpu.memory_space<semaphore_mem>>)
      } else {
      }
      %dma_wait3A_234 = arith.constant 0 : i32
      %dma_wait3A_235 = arith.constant 0 : i32
      %dma_wait3A_236 = tpu.memref_slice %arg9[%dma_wait3A_234, %dma_wait3A_235] : memref<2x128xi32, #tpu.memory_space<vmem>> -> memref<1x128xi32, #tpu.memory_space<vmem>>
      %dma_wait3A_237 = tpu.memref_squeeze %dma_wait3A_236 : memref<1x128xi32, #tpu.memory_space<vmem>> -> memref<128xi32, #tpu.memory_space<vmem>>
      %dma_wait3A_238 = arith.constant 0 : i32
      %dma_wait3A_239 = arith.constant 0 : i32
      %dma_wait3A_240 = tpu.memref_slice %arg3[%dma_wait3A_238, %dma_wait3A_239] : memref<10000x128xbf16, #tpu.memory_space<hbm>> -> memref<10000x128xbf16, #tpu.memory_space<hbm>>
      tpu.wait_indirect_dma semaphore(%arg22 : memref<!tpu.dma_semaphore, #tpu.memory_space<semaphore_mem>>) src(%dma_wait3A_240 : memref<10000x128xbf16, #tpu.memory_space<hbm>>) dst(%arg12 : memref<128x128xbf16, #tpu.memory_space<vmem>>)
      %run_scoped3A_241 = arith.constant 1 : i32
      "tpu.region"() ({
        %run_scoped3A_273 = tpu.sem_alloc : memref<!tpu.dma_semaphore, #tpu.memory_space<semaphore_mem>>
        %dma_start3A_274 = arith.constant 0 : i32
        %dma_start3A_275 = tpu.memref_slice %arg9[%run_scoped3A_241, %dma_start3A_274] : memref<2x128xi32, #tpu.memory_space<vmem>> -> memref<1x128xi32, #tpu.memory_space<vmem>>
        %dma_start3A_276 = tpu.memref_squeeze %dma_start3A_275 : memref<1x128xi32, #tpu.memory_space<vmem>> -> memref<128xi32, #tpu.memory_space<vmem>>
        %dma_start3A_277 = arith.constant 0 : i32
        %dma_start3A_278 = arith.constant 0 : i32
        %dma_start3A_279 = tpu.memref_slice %arg14[%dma_start3A_277, %dma_start3A_278] : memref<10000x128xbf16, #tpu.memory_space<vmem_shared>> -> memref<10000x128xbf16, #tpu.memory_space<vmem_shared>>
        tpu.enqueue_indirect_dma source(%arg12 : memref<128x128xbf16, #tpu.memory_space<vmem>>) target(%dma_start3A_279 : memref<10000x128xbf16, #tpu.memory_space<vmem_shared>>) offsets(%dma_start3A_276 : memref<128xi32, #tpu.memory_space<vmem>>) semaphore(%run_scoped3A_273 : memref<!tpu.dma_semaphore, #tpu.memory_space<semaphore_mem>>) {add = true}
        %dma_wait3A_280 = arith.constant 0 : i32
        %dma_wait3A_281 = tpu.memref_slice %arg9[%run_scoped3A_241, %dma_wait3A_280] : memref<2x128xi32, #tpu.memory_space<vmem>> -> memref<1x128xi32, #tpu.memory_space<vmem>>
        %dma_wait3A_282 = tpu.memref_squeeze %dma_wait3A_281 : memref<1x128xi32, #tpu.memory_space<vmem>> -> memref<128xi32, #tpu.memory_space<vmem>>
        %dma_wait3A_283 = arith.constant 0 : i32
        %dma_wait3A_284 = arith.constant 0 : i32
        %dma_wait3A_285 = tpu.memref_slice %arg14[%dma_wait3A_283, %dma_wait3A_284] : memref<10000x128xbf16, #tpu.memory_space<vmem_shared>> -> memref<10000x128xbf16, #tpu.memory_space<vmem_shared>>
        tpu.wait_indirect_dma semaphore(%run_scoped3A_273 : memref<!tpu.dma_semaphore, #tpu.memory_space<semaphore_mem>>) src(%arg12 : memref<128x128xbf16, #tpu.memory_space<vmem>>) dst(%dma_wait3A_285 : memref<10000x128xbf16, #tpu.memory_space<vmem_shared>>)
        tpu.yield
      }) : () -> ()
      %add3A_242 = arith.constant 6 : i32
      %add3A_243 = arith.addi %add3A_226, %add3A_242 : i32
      %lt3A_244 = arith.constant 78 : i32
      %lt3A_245 = arith.cmpi slt, %add3A_243, %lt3A_244 : i32
      %convert_element_type3A_246 = arith.extui %lt3A_245 : i1 to i32
      %cond3A_247 = arith.constant 0 : i32
      %cond3A_248 = arith.cmpi ne, %convert_element_type3A_246, %cond3A_247 : i32
      scf.if %cond3A_248 {
        %add3A_273 = arith.constant 6 : i32
        %add3A_274 = arith.addi %add3A_226, %add3A_273 : i32
        %add3A_275 = arith.addi %mul3A_2, %add3A_274 : i32
        %mul3A_276 = arith.constant 128 : i32
        %mul3A_277 = arith.muli %add3A_275, %mul3A_276 : i32
        %dma_start3A_278 = arith.constant 0 : i32
        %dma_start3A_279 = tpu.memref_slice %arg2[%dma_start3A_278, %mul3A_277] : memref<2x320000xi32, #tpu.memory_space<hbm>> -> memref<2x128xi32, #tpu.memory_space<hbm>>
        %dma_start3A_280 = arith.constant 0 : i32
        %dma_start3A_281 = tpu.memref_slice %arg2[%dma_start3A_280, %mul3A_277] : memref<2x320000xi32, #tpu.memory_space<hbm>> -> memref<2x128xi32, #tpu.memory_space<hbm>>
        tpu.enqueue_dma source(%dma_start3A_281 : memref<2x128xi32, #tpu.memory_space<hbm>>) target(%arg9 : memref<2x128xi32, #tpu.memory_space<vmem>>) target_semaphore(%arg19 : memref<!tpu.dma_semaphore, #tpu.memory_space<semaphore_mem>>)
      } else {
      }
      %add3A_249 = arith.constant 5 : i32
      %add3A_250 = arith.addi %add3A_129, %add3A_249 : i32
      %add3A_251 = arith.constant 2 : i32
      %add3A_252 = arith.addi %add3A_250, %add3A_251 : i32
      %lt3A_253 = arith.constant 78 : i32
      %lt3A_254 = arith.cmpi slt, %add3A_252, %lt3A_253 : i32
      %convert_element_type3A_255 = arith.extui %lt3A_254 : i1 to i32
      %cond3A_256 = arith.constant 0 : i32
      %cond3A_257 = arith.cmpi ne, %convert_element_type3A_255, %cond3A_256 : i32
      scf.if %cond3A_257 {
        %add3A_273 = arith.constant 2 : i32
        %add3A_274 = arith.addi %add3A_250, %add3A_273 : i32
        %add3A_275 = arith.addi %mul3A_2, %add3A_274 : i32
        %mul3A_276 = arith.constant 128 : i32
        %mul3A_277 = arith.muli %add3A_275, %mul3A_276 : i32
        %dma_wait3A_278 = arith.constant 0 : i32
        %dma_wait3A_279 = tpu.memref_slice %arg2[%dma_wait3A_278, %mul3A_277] : memref<2x320000xi32, #tpu.memory_space<hbm>> -> memref<2x128xi32, #tpu.memory_space<hbm>>
        %dma_wait3A_280 = arith.constant 0 : i32
        %dma_wait3A_281 = tpu.memref_slice %arg2[%dma_wait3A_280, %mul3A_277] : memref<2x320000xi32, #tpu.memory_space<hbm>> -> memref<2x128xi32, #tpu.memory_space<hbm>>
        tpu.wait_dma2 semaphore(%arg16 : memref<!tpu.dma_semaphore, #tpu.memory_space<semaphore_mem>>) src(%dma_wait3A_281 : memref<2x128xi32, #tpu.memory_space<hbm>>) dst(%arg6 : memref<2x128xi32, #tpu.memory_space<vmem>>)
        %dma_start3A_282 = arith.constant 0 : i32
        %dma_start3A_283 = arith.constant 0 : i32
        %dma_start3A_284 = tpu.memref_slice %arg6[%dma_start3A_282, %dma_start3A_283] : memref<2x128xi32, #tpu.memory_space<vmem>> -> memref<1x128xi32, #tpu.memory_space<vmem>>
        %dma_start3A_285 = tpu.memref_squeeze %dma_start3A_284 : memref<1x128xi32, #tpu.memory_space<vmem>> -> memref<128xi32, #tpu.memory_space<vmem>>
        %dma_start3A_286 = arith.constant 0 : i32
        %dma_start3A_287 = arith.constant 0 : i32
        %dma_start3A_288 = tpu.memref_slice %arg3[%dma_start3A_286, %dma_start3A_287] : memref<10000x128xbf16, #tpu.memory_space<hbm>> -> memref<10000x128xbf16, #tpu.memory_space<hbm>>
        tpu.enqueue_indirect_dma source(%dma_start3A_288 : memref<10000x128xbf16, #tpu.memory_space<hbm>>) target(%arg12 : memref<128x128xbf16, #tpu.memory_space<vmem>>) offsets(%dma_start3A_285 : memref<128xi32, #tpu.memory_space<vmem>>) semaphore(%arg22 : memref<!tpu.dma_semaphore, #tpu.memory_space<semaphore_mem>>)
      } else {
      }
      %dma_wait3A_258 = arith.constant 0 : i32
      %dma_wait3A_259 = arith.constant 0 : i32
      %dma_wait3A_260 = tpu.memref_slice %arg10[%dma_wait3A_258, %dma_wait3A_259] : memref<2x128xi32, #tpu.memory_space<vmem>> -> memref<1x128xi32, #tpu.memory_space<vmem>>
      %dma_wait3A_261 = tpu.memref_squeeze %dma_wait3A_260 : memref<1x128xi32, #tpu.memory_space<vmem>> -> memref<128xi32, #tpu.memory_space<vmem>>
      %dma_wait3A_262 = arith.constant 0 : i32
      %dma_wait3A_263 = arith.constant 0 : i32
      %dma_wait3A_264 = tpu.memref_slice %arg3[%dma_wait3A_262, %dma_wait3A_263] : memref<10000x128xbf16, #tpu.memory_space<hbm>> -> memref<10000x128xbf16, #tpu.memory_space<hbm>>
      tpu.wait_indirect_dma semaphore(%arg23 : memref<!tpu.dma_semaphore, #tpu.memory_space<semaphore_mem>>) src(%dma_wait3A_264 : memref<10000x128xbf16, #tpu.memory_space<hbm>>) dst(%arg13 : memref<128x128xbf16, #tpu.memory_space<vmem>>)
      %run_scoped3A_265 = arith.constant 1 : i32
      "tpu.region"() ({
        %run_scoped3A_273 = tpu.sem_alloc : memref<!tpu.dma_semaphore, #tpu.memory_space<semaphore_mem>>
        %dma_start3A_274 = arith.constant 0 : i32
        %dma_start3A_275 = tpu.memref_slice %arg10[%run_scoped3A_265, %dma_start3A_274] : memref<2x128xi32, #tpu.memory_space<vmem>> -> memref<1x128xi32, #tpu.memory_space<vmem>>
        %dma_start3A_276 = tpu.memref_squeeze %dma_start3A_275 : memref<1x128xi32, #tpu.memory_space<vmem>> -> memref<128xi32, #tpu.memory_space<vmem>>
        %dma_start3A_277 = arith.constant 0 : i32
        %dma_start3A_278 = arith.constant 0 : i32
        %dma_start3A_279 = tpu.memref_slice %arg14[%dma_start3A_277, %dma_start3A_278] : memref<10000x128xbf16, #tpu.memory_space<vmem_shared>> -> memref<10000x128xbf16, #tpu.memory_space<vmem_shared>>
        tpu.enqueue_indirect_dma source(%arg13 : memref<128x128xbf16, #tpu.memory_space<vmem>>) target(%dma_start3A_279 : memref<10000x128xbf16, #tpu.memory_space<vmem_shared>>) offsets(%dma_start3A_276 : memref<128xi32, #tpu.memory_space<vmem>>) semaphore(%run_scoped3A_273 : memref<!tpu.dma_semaphore, #tpu.memory_space<semaphore_mem>>) {add = true}
        %dma_wait3A_280 = arith.constant 0 : i32
        %dma_wait3A_281 = tpu.memref_slice %arg10[%run_scoped3A_265, %dma_wait3A_280] : memref<2x128xi32, #tpu.memory_space<vmem>> -> memref<1x128xi32, #tpu.memory_space<vmem>>
        %dma_wait3A_282 = tpu.memref_squeeze %dma_wait3A_281 : memref<1x128xi32, #tpu.memory_space<vmem>> -> memref<128xi32, #tpu.memory_space<vmem>>
        %dma_wait3A_283 = arith.constant 0 : i32
        %dma_wait3A_284 = arith.constant 0 : i32
        %dma_wait3A_285 = tpu.memref_slice %arg14[%dma_wait3A_283, %dma_wait3A_284] : memref<10000x128xbf16, #tpu.memory_space<vmem_shared>> -> memref<10000x128xbf16, #tpu.memory_space<vmem_shared>>
        tpu.wait_indirect_dma semaphore(%run_scoped3A_273 : memref<!tpu.dma_semaphore, #tpu.memory_space<semaphore_mem>>) src(%arg13 : memref<128x128xbf16, #tpu.memory_space<vmem>>) dst(%dma_wait3A_285 : memref<10000x128xbf16, #tpu.memory_space<vmem_shared>>)
        tpu.yield
      }) : () -> ()
      %add3A_266 = arith.constant 6 : i32
      %add3A_267 = arith.addi %add3A_250, %add3A_266 : i32
      %lt3A_268 = arith.constant 78 : i32
      %lt3A_269 = arith.cmpi slt, %add3A_267, %lt3A_268 : i32
      %convert_element_type3A_270 = arith.extui %lt3A_269 : i1 to i32
      %cond3A_271 = arith.constant 0 : i32
      %cond3A_272 = arith.cmpi ne, %convert_element_type3A_270, %cond3A_271 : i32
      scf.if %cond3A_272 {
        %add3A_273 = arith.constant 6 : i32
        %add3A_274 = arith.addi %add3A_250, %add3A_273 : i32
        %add3A_275 = arith.addi %mul3A_2, %add3A_274 : i32
        %mul3A_276 = arith.constant 128 : i32
        %mul3A_277 = arith.muli %add3A_275, %mul3A_276 : i32
        %dma_start3A_278 = arith.constant 0 : i32
        %dma_start3A_279 = tpu.memref_slice %arg2[%dma_start3A_278, %mul3A_277] : memref<2x320000xi32, #tpu.memory_space<hbm>> -> memref<2x128xi32, #tpu.memory_space<hbm>>
        %dma_start3A_280 = arith.constant 0 : i32
        %dma_start3A_281 = tpu.memref_slice %arg2[%dma_start3A_280, %mul3A_277] : memref<2x320000xi32, #tpu.memory_space<hbm>> -> memref<2x128xi32, #tpu.memory_space<hbm>>
        tpu.enqueue_dma source(%dma_start3A_281 : memref<2x128xi32, #tpu.memory_space<hbm>>) target(%arg10 : memref<2x128xi32, #tpu.memory_space<vmem>>) target_semaphore(%arg20 : memref<!tpu.dma_semaphore, #tpu.memory_space<semaphore_mem>>)
      } else {
      }
    }
    %scan3A_110 = arith.constant 13 : i32
    %lt3A = arith.constant 4 : i32
    %lt3A_111 = arith.cmpi slt, %add3A, %lt3A : i32
    %convert_element_type3A_112 = arith.extui %lt3A_111 : i1 to i32
    %cond3A_113 = arith.constant 0 : i32
    %cond3A_114 = arith.cmpi ne, %convert_element_type3A_112, %cond3A_113 : i32
    scf.if %cond3A_114 {
      %add3A_125 = arith.constant 2496 : i32
      %add3A_126 = arith.addi %add3A_125, %add3A : i32
      %mul3A_127 = arith.constant 128 : i32
      %mul3A_128 = arith.muli %add3A_126, %mul3A_127 : i32
      "tpu.region"() ({
        %run_scoped3A_143 = tpu.sem_alloc : memref<!tpu.dma_semaphore, #tpu.memory_space<semaphore_mem>>
        %dma_start3A_144 = arith.constant 0 : i32
        %dma_start3A_145 = tpu.memref_slice %arg2[%dma_start3A_144, %mul3A_128] : memref<2x320000xi32, #tpu.memory_space<hbm>> -> memref<2x128xi32, #tpu.memory_space<hbm>>
        %dma_start3A_146 = arith.constant 0 : i32
        %dma_start3A_147 = tpu.memref_slice %arg2[%dma_start3A_146, %mul3A_128] : memref<2x320000xi32, #tpu.memory_space<hbm>> -> memref<2x128xi32, #tpu.memory_space<hbm>>
        tpu.enqueue_dma source(%dma_start3A_147 : memref<2x128xi32, #tpu.memory_space<hbm>>) target(%arg5 : memref<2x128xi32, #tpu.memory_space<vmem>>) target_semaphore(%run_scoped3A_143 : memref<!tpu.dma_semaphore, #tpu.memory_space<semaphore_mem>>)
        %dma_wait3A_148 = arith.constant 0 : i32
        %dma_wait3A_149 = tpu.memref_slice %arg2[%dma_wait3A_148, %mul3A_128] : memref<2x320000xi32, #tpu.memory_space<hbm>> -> memref<2x128xi32, #tpu.memory_space<hbm>>
        %dma_wait3A_150 = arith.constant 0 : i32
        %dma_wait3A_151 = tpu.memref_slice %arg2[%dma_wait3A_150, %mul3A_128] : memref<2x320000xi32, #tpu.memory_space<hbm>> -> memref<2x128xi32, #tpu.memory_space<hbm>>
        tpu.wait_dma2 semaphore(%run_scoped3A_143 : memref<!tpu.dma_semaphore, #tpu.memory_space<semaphore_mem>>) src(%dma_wait3A_151 : memref<2x128xi32, #tpu.memory_space<hbm>>) dst(%arg5 : memref<2x128xi32, #tpu.memory_space<vmem>>)
        tpu.yield
      }) : () -> ()
      %dma_start3A_129 = arith.constant 0 : i32
      %dma_start3A_130 = arith.constant 0 : i32
      %dma_start3A_131 = tpu.memref_slice %arg5[%dma_start3A_129, %dma_start3A_130] : memref<2x128xi32, #tpu.memory_space<vmem>> -> memref<1x128xi32, #tpu.memory_space<vmem>>
      %dma_start3A_132 = tpu.memref_squeeze %dma_start3A_131 : memref<1x128xi32, #tpu.memory_space<vmem>> -> memref<128xi32, #tpu.memory_space<vmem>>
      %dma_start3A_133 = arith.constant 0 : i32
      %dma_start3A_134 = arith.constant 0 : i32
      %dma_start3A_135 = tpu.memref_slice %arg3[%dma_start3A_133, %dma_start3A_134] : memref<10000x128xbf16, #tpu.memory_space<hbm>> -> memref<10000x128xbf16, #tpu.memory_space<hbm>>
      tpu.enqueue_indirect_dma source(%dma_start3A_135 : memref<10000x128xbf16, #tpu.memory_space<hbm>>) target(%arg11 : memref<128x128xbf16, #tpu.memory_space<vmem>>) offsets(%dma_start3A_132 : memref<128xi32, #tpu.memory_space<vmem>>) semaphore(%arg21 : memref<!tpu.dma_semaphore, #tpu.memory_space<semaphore_mem>>)
      %dma_wait3A_136 = arith.constant 0 : i32
      %dma_wait3A_137 = arith.constant 0 : i32
      %dma_wait3A_138 = tpu.memref_slice %arg5[%dma_wait3A_136, %dma_wait3A_137] : memref<2x128xi32, #tpu.memory_space<vmem>> -> memref<1x128xi32, #tpu.memory_space<vmem>>
      %dma_wait3A_139 = tpu.memref_squeeze %dma_wait3A_138 : memref<1x128xi32, #tpu.memory_space<vmem>> -> memref<128xi32, #tpu.memory_space<vmem>>
      %dma_wait3A_140 = arith.constant 0 : i32
      %dma_wait3A_141 = arith.constant 0 : i32
      %dma_wait3A_142 = tpu.memref_slice %arg3[%dma_wait3A_140, %dma_wait3A_141] : memref<10000x128xbf16, #tpu.memory_space<hbm>> -> memref<10000x128xbf16, #tpu.memory_space<hbm>>
      tpu.wait_indirect_dma semaphore(%arg21 : memref<!tpu.dma_semaphore, #tpu.memory_space<semaphore_mem>>) src(%dma_wait3A_142 : memref<10000x128xbf16, #tpu.memory_space<hbm>>) dst(%arg11 : memref<128x128xbf16, #tpu.memory_space<vmem>>)
      %run_scoped3A = arith.constant 1 : i32
      "tpu.region"() ({
        %run_scoped3A_143 = tpu.sem_alloc : memref<!tpu.dma_semaphore, #tpu.memory_space<semaphore_mem>>
        %dma_start3A_144 = arith.constant 0 : i32
        %dma_start3A_145 = tpu.memref_slice %arg5[%run_scoped3A, %dma_start3A_144] : memref<2x128xi32, #tpu.memory_space<vmem>> -> memref<1x128xi32, #tpu.memory_space<vmem>>
        %dma_start3A_146 = tpu.memref_squeeze %dma_start3A_145 : memref<1x128xi32, #tpu.memory_space<vmem>> -> memref<128xi32, #tpu.memory_space<vmem>>
        %dma_start3A_147 = arith.constant 0 : i32
        %dma_start3A_148 = arith.constant 0 : i32
        %dma_start3A_149 = tpu.memref_slice %arg14[%dma_start3A_147, %dma_start3A_148] : memref<10000x128xbf16, #tpu.memory_space<vmem_shared>> -> memref<10000x128xbf16, #tpu.memory_space<vmem_shared>>
        tpu.enqueue_indirect_dma source(%arg11 : memref<128x128xbf16, #tpu.memory_space<vmem>>) target(%dma_start3A_149 : memref<10000x128xbf16, #tpu.memory_space<vmem_shared>>) offsets(%dma_start3A_146 : memref<128xi32, #tpu.memory_space<vmem>>) semaphore(%run_scoped3A_143 : memref<!tpu.dma_semaphore, #tpu.memory_space<semaphore_mem>>) {add = true}
        %dma_wait3A_150 = arith.constant 0 : i32
        %dma_wait3A_151 = tpu.memref_slice %arg5[%run_scoped3A, %dma_wait3A_150] : memref<2x128xi32, #tpu.memory_space<vmem>> -> memref<1x128xi32, #tpu.memory_space<vmem>>
        %dma_wait3A_152 = tpu.memref_squeeze %dma_wait3A_151 : memref<1x128xi32, #tpu.memory_space<vmem>> -> memref<128xi32, #tpu.memory_space<vmem>>
        %dma_wait3A_153 = arith.constant 0 : i32
        %dma_wait3A_154 = arith.constant 0 : i32
        %dma_wait3A_155 = tpu.memref_slice %arg14[%dma_wait3A_153, %dma_wait3A_154] : memref<10000x128xbf16, #tpu.memory_space<vmem_shared>> -> memref<10000x128xbf16, #tpu.memory_space<vmem_shared>>
        tpu.wait_indirect_dma semaphore(%run_scoped3A_143 : memref<!tpu.dma_semaphore, #tpu.memory_space<semaphore_mem>>) src(%arg11 : memref<128x128xbf16, #tpu.memory_space<vmem>>) dst(%dma_wait3A_155 : memref<10000x128xbf16, #tpu.memory_space<vmem_shared>>)
        tpu.yield
      }) : () -> ()
    } else {
    }
    %barrier3A_115 = arith.constant 0 : index
    tpu.barrier barrier_id(%barrier3A_115)
    %mul3A_116 = arith.constant 624 : i32
    %mul3A_117 = arith.muli %arg1, %mul3A_116 : i32
    %mul3A_118 = arith.constant 624 : i32
    %mul3A_119 = arith.muli %arg1, %mul3A_118 : i32
    "tpu.region"() ({
      %run_scoped3A = tpu.sem_alloc : memref<!tpu.dma_semaphore, #tpu.memory_space<semaphore_mem>>
      %dma_start3A_125 = arith.constant 0 : i32
      %dma_start3A_126 = tpu.memref_slice %arg4[%arg0, %mul3A_119, %dma_start3A_125] : memref<2x10000x128xbf16, #tpu.memory_space<hbm>> -> memref<1x624x128xbf16, #tpu.memory_space<hbm>>
      %dma_start3A_127 = tpu.memref_squeeze %dma_start3A_126 : memref<1x624x128xbf16, #tpu.memory_space<hbm>> -> memref<624x128xbf16, #tpu.memory_space<hbm>>
      %dma_start3A_128 = arith.constant 0 : i32
      %dma_start3A_129 = tpu.memref_slice %arg14[%mul3A_117, %dma_start3A_128] : memref<10000x128xbf16, #tpu.memory_space<vmem_shared>> -> memref<624x128xbf16, #tpu.memory_space<vmem_shared>>
      tpu.enqueue_dma source(%dma_start3A_129 : memref<624x128xbf16, #tpu.memory_space<vmem_shared>>) target(%dma_start3A_127 : memref<624x128xbf16, #tpu.memory_space<hbm>>) target_semaphore(%run_scoped3A : memref<!tpu.dma_semaphore, #tpu.memory_space<semaphore_mem>>)
      %dma_wait3A_130 = arith.constant 0 : i32
      %dma_wait3A_131 = tpu.memref_slice %arg4[%arg0, %mul3A_119, %dma_wait3A_130] : memref<2x10000x128xbf16, #tpu.memory_space<hbm>> -> memref<1x624x128xbf16, #tpu.memory_space<hbm>>
      %dma_wait3A_132 = tpu.memref_squeeze %dma_wait3A_131 : memref<1x624x128xbf16, #tpu.memory_space<hbm>> -> memref<624x128xbf16, #tpu.memory_space<hbm>>
      %dma_wait3A_133 = arith.constant 0 : i32
      %dma_wait3A_134 = tpu.memref_slice %arg14[%mul3A_117, %dma_wait3A_133] : memref<10000x128xbf16, #tpu.memory_space<vmem_shared>> -> memref<624x128xbf16, #tpu.memory_space<vmem_shared>>
      tpu.wait_dma2 semaphore(%run_scoped3A : memref<!tpu.dma_semaphore, #tpu.memory_space<semaphore_mem>>) src(%dma_wait3A_134 : memref<624x128xbf16, #tpu.memory_space<vmem_shared>>) dst(%dma_wait3A_132 : memref<624x128xbf16, #tpu.memory_space<hbm>>)
      tpu.yield
    }) : () -> ()
    %eq3A_120 = arith.constant 0 : i32
    %eq3A_121 = arith.cmpi eq, %arg1, %eq3A_120 : i32
    %convert_element_type3A_122 = arith.extui %eq3A_121 : i1 to i32
    %cond3A_123 = arith.constant 0 : i32
    %cond3A_124 = arith.cmpi ne, %convert_element_type3A_122, %cond3A_123 : i32
    scf.if %cond3A_124 {
      "tpu.region"() ({
        %run_scoped3A = tpu.sem_alloc : memref<!tpu.dma_semaphore, #tpu.memory_space<semaphore_mem>>
        %dma_start3A_125 = arith.constant 9984 : i32
        %dma_start3A_126 = arith.constant 0 : i32
        %dma_start3A_127 = tpu.memref_slice %arg4[%arg0, %dma_start3A_125, %dma_start3A_126] : memref<2x10000x128xbf16, #tpu.memory_space<hbm>> -> memref<1x16x128xbf16, #tpu.memory_space<hbm>>
        %dma_start3A_128 = tpu.memref_squeeze %dma_start3A_127 : memref<1x16x128xbf16, #tpu.memory_space<hbm>> -> memref<16x128xbf16, #tpu.memory_space<hbm>>
        %dma_start3A_129 = arith.constant 9984 : i32
        %dma_start3A_130 = arith.constant 0 : i32
        %dma_start3A_131 = tpu.memref_slice %arg14[%dma_start3A_129, %dma_start3A_130] : memref<10000x128xbf16, #tpu.memory_space<vmem_shared>> -> memref<16x128xbf16, #tpu.memory_space<vmem_shared>>
        tpu.enqueue_dma source(%dma_start3A_131 : memref<16x128xbf16, #tpu.memory_space<vmem_shared>>) target(%dma_start3A_128 : memref<16x128xbf16, #tpu.memory_space<hbm>>) target_semaphore(%run_scoped3A : memref<!tpu.dma_semaphore, #tpu.memory_space<semaphore_mem>>)
        %dma_wait3A_132 = arith.constant 9984 : i32
        %dma_wait3A_133 = arith.constant 0 : i32
        %dma_wait3A_134 = tpu.memref_slice %arg4[%arg0, %dma_wait3A_132, %dma_wait3A_133] : memref<2x10000x128xbf16, #tpu.memory_space<hbm>> -> memref<1x16x128xbf16, #tpu.memory_space<hbm>>
        %dma_wait3A_135 = tpu.memref_squeeze %dma_wait3A_134 : memref<1x16x128xbf16, #tpu.memory_space<hbm>> -> memref<16x128xbf16, #tpu.memory_space<hbm>>
        %dma_wait3A_136 = arith.constant 9984 : i32
        %dma_wait3A_137 = arith.constant 0 : i32
        %dma_wait3A_138 = tpu.memref_slice %arg14[%dma_wait3A_136, %dma_wait3A_137] : memref<10000x128xbf16, #tpu.memory_space<vmem_shared>> -> memref<16x128xbf16, #tpu.memory_space<vmem_shared>>
        tpu.wait_dma2 semaphore(%run_scoped3A : memref<!tpu.dma_semaphore, #tpu.memory_space<semaphore_mem>>) src(%dma_wait3A_138 : memref<16x128xbf16, #tpu.memory_space<vmem_shared>>) dst(%dma_wait3A_135 : memref<16x128xbf16, #tpu.memory_space<hbm>>)
        tpu.yield
      }) : () -> ()
    } else {
    }
    return
  }
}

#map = affine_map<(d0, d1) -> (0, 0)>
module attributes {stable_mosaic.version = 14 : i64} {
  func.func @_sc_hist(%arg0: i32, %arg1: i32, %arg2: memref<2x320000xi32, #tpu.memory_space<hbm>>, %arg3: memref<32x10000xf32, #tpu.memory_space<hbm>>, %arg4: memref<2x9984xi32, #tpu.memory_space<vmem>>, %arg5: memref<2x128xi32, #tpu.memory_space<vmem>>, %arg6: memref<10000xf32, #tpu.memory_space<vmem>>, %arg7: memref<!tpu.dma_semaphore, #tpu.memory_space<semaphore_mem>>) attributes {dimension_semantics = [#tpu.dimension_semantics<core_parallel>, #tpu.dimension_semantics<subcore_parallel>], iteration_bounds = array<i64: 2, 16>, scalar_prefetch = 0 : i64, scratch_operands = 4 : i64, tpu.core_type = #tpu.core_type<sc_vector_subcore>, window_params = [{transform_indices = #map}, {transform_indices = #map}]} {
    %mul3A = arith.constant 2 : i32
    %mul3A_0 = arith.muli %arg1, %mul3A : i32
    %add3A = arith.addi %mul3A_0, %arg0 : i32
    %mul3A_1 = arith.constant 78 : i32
    %mul3A_2 = arith.muli %add3A, %mul3A_1 : i32
    %mul3A_3 = arith.constant 128 : i32
    %mul3A_4 = arith.muli %mul3A_2, %mul3A_3 : i32
    %dma_start3A = arith.constant 0 : i32
    %dma_start3A_5 = tpu.memref_slice %arg2[%dma_start3A, %mul3A_4] : memref<2x320000xi32, #tpu.memory_space<hbm>> -> memref<2x9984xi32, #tpu.memory_space<hbm>>
    %dma_start3A_6 = arith.constant 0 : i32
    %dma_start3A_7 = tpu.memref_slice %arg2[%dma_start3A_6, %mul3A_4] : memref<2x320000xi32, #tpu.memory_space<hbm>> -> memref<2x9984xi32, #tpu.memory_space<hbm>>
    tpu.enqueue_dma source(%dma_start3A_7 : memref<2x9984xi32, #tpu.memory_space<hbm>>) target(%arg4 : memref<2x9984xi32, #tpu.memory_space<vmem>>) target_semaphore(%arg7 : memref<!tpu.dma_semaphore, #tpu.memory_space<semaphore_mem>>)
    %scan3A = arith.constant 0 : i32
    %scan3A_8 = arith.constant 0 : i32
    %scan3A_9 = arith.constant 625 : i32
    %scan3A_10 = arith.addi %scan3A_8, %scan3A_9 : i32
    %scan3A_11 = arith.constant 1 : i32
    scf.for %scan3A_25 = %scan3A_8 to %scan3A_10 step %scan3A_11  : i32 {
      %broadcast_in_dim3A_26 = arith.constant 0.000000e+00 : f32
      %broadcast_in_dim3A_27 = vector.broadcast %broadcast_in_dim3A_26 : f32 to vector<16xf32>
      %mul3A_28 = arith.constant 16 : i32
      %mul3A_29 = arith.muli %scan3A_25, %mul3A_28 : i32
      %swap3A = arith.index_cast %mul3A_29 : i32 to index
      %swap3A_30 = tpu.vector_load %arg6[%swap3A] {strides = array<i32>} : memref<10000xf32, #tpu.memory_space<vmem>>, vector<16xf32>,
      tpu.vector_store %arg6[%swap3A], %broadcast_in_dim3A_27 {strides = array<i32>} : memref<10000xf32, #tpu.memory_space<vmem>>, vector<16xf32>,
    }
    %scan3A_12 = arith.constant 625 : i32
    %dma_wait3A = arith.constant 0 : i32
    %dma_wait3A_13 = tpu.memref_slice %arg2[%dma_wait3A, %mul3A_4] : memref<2x320000xi32, #tpu.memory_space<hbm>> -> memref<2x9984xi32, #tpu.memory_space<hbm>>
    %dma_wait3A_14 = arith.constant 0 : i32
    %dma_wait3A_15 = tpu.memref_slice %arg2[%dma_wait3A_14, %mul3A_4] : memref<2x320000xi32, #tpu.memory_space<hbm>> -> memref<2x9984xi32, #tpu.memory_space<hbm>>
    tpu.wait_dma2 semaphore(%arg7 : memref<!tpu.dma_semaphore, #tpu.memory_space<semaphore_mem>>) src(%dma_wait3A_15 : memref<2x9984xi32, #tpu.memory_space<hbm>>) dst(%arg4 : memref<2x9984xi32, #tpu.memory_space<vmem>>)
    %broadcast_in_dim3A = arith.constant 1.000000e+00 : f32
    %broadcast_in_dim3A_16 = vector.broadcast %broadcast_in_dim3A : f32 to vector<16xf32>
    %scan3A_17 = arith.constant 0 : i32
    %scan3A_18 = arith.constant 0 : i32
    %scan3A_19 = arith.constant 624 : i32
    %scan3A_20 = arith.addi %scan3A_18, %scan3A_19 : i32
    %scan3A_21 = arith.constant 1 : i32
    scf.for %scan3A_25 = %scan3A_18 to %scan3A_20 step %scan3A_21  : i32 {
      %mul3A_26 = arith.constant 16 : i32
      %mul3A_27 = arith.muli %scan3A_25, %mul3A_26 : i32
      %get3A = arith.constant 1 : i32
      %get3A_28 = arith.index_cast %get3A : i32 to index
      %get3A_29 = arith.index_cast %mul3A_27 : i32 to index
      %get3A_30 = tpu.vector_load %arg4[%get3A_28, %get3A_29] {strides = array<i32>} : memref<2x9984xi32, #tpu.memory_space<vmem>>, vector<16xi32>,
      tpu.vector_store_idx %arg6[%get3A_30], %broadcast_in_dim3A_16 {add = true} : memref<10000xf32, #tpu.memory_space<vmem>>[vector<16xi32>], vector<16xf32>,
    }
    %scan3A_22 = arith.constant 624 : i32
    %lt3A = arith.constant 4 : i32
    %lt3A_23 = arith.cmpi slt, %add3A, %lt3A : i32
    %convert_element_type3A = arith.extui %lt3A_23 : i1 to i32
    %cond3A = arith.constant 0 : i32
    %cond3A_24 = arith.cmpi ne, %convert_element_type3A, %cond3A : i32
    scf.if %cond3A_24 {
      %add3A_25 = arith.constant 2496 : i32
      %add3A_26 = arith.addi %add3A_25, %add3A : i32
      %mul3A_27 = arith.constant 128 : i32
      %mul3A_28 = arith.muli %add3A_26, %mul3A_27 : i32
      "tpu.region"() ({
        %run_scoped3A = tpu.sem_alloc : memref<!tpu.dma_semaphore, #tpu.memory_space<semaphore_mem>>
        %dma_start3A_35 = arith.constant 0 : i32
        %dma_start3A_36 = tpu.memref_slice %arg2[%dma_start3A_35, %mul3A_28] : memref<2x320000xi32, #tpu.memory_space<hbm>> -> memref<2x128xi32, #tpu.memory_space<hbm>>
        %dma_start3A_37 = arith.constant 0 : i32
        %dma_start3A_38 = tpu.memref_slice %arg2[%dma_start3A_37, %mul3A_28] : memref<2x320000xi32, #tpu.memory_space<hbm>> -> memref<2x128xi32, #tpu.memory_space<hbm>>
        tpu.enqueue_dma source(%dma_start3A_38 : memref<2x128xi32, #tpu.memory_space<hbm>>) target(%arg5 : memref<2x128xi32, #tpu.memory_space<vmem>>) target_semaphore(%run_scoped3A : memref<!tpu.dma_semaphore, #tpu.memory_space<semaphore_mem>>)
        %dma_wait3A_39 = arith.constant 0 : i32
        %dma_wait3A_40 = tpu.memref_slice %arg2[%dma_wait3A_39, %mul3A_28] : memref<2x320000xi32, #tpu.memory_space<hbm>> -> memref<2x128xi32, #tpu.memory_space<hbm>>
        %dma_wait3A_41 = arith.constant 0 : i32
        %dma_wait3A_42 = tpu.memref_slice %arg2[%dma_wait3A_41, %mul3A_28] : memref<2x320000xi32, #tpu.memory_space<hbm>> -> memref<2x128xi32, #tpu.memory_space<hbm>>
        tpu.wait_dma2 semaphore(%run_scoped3A : memref<!tpu.dma_semaphore, #tpu.memory_space<semaphore_mem>>) src(%dma_wait3A_42 : memref<2x128xi32, #tpu.memory_space<hbm>>) dst(%arg5 : memref<2x128xi32, #tpu.memory_space<vmem>>)
        tpu.yield
      }) : () -> ()
      %scan3A_29 = arith.constant 0 : i32
      %scan3A_30 = arith.constant 0 : i32
      %scan3A_31 = arith.constant 8 : i32
      %scan3A_32 = arith.addi %scan3A_30, %scan3A_31 : i32
      %scan3A_33 = arith.constant 1 : i32
      scf.for %scan3A_35 = %scan3A_30 to %scan3A_32 step %scan3A_33  : i32 {
        %mul3A_36 = arith.constant 16 : i32
        %mul3A_37 = arith.muli %scan3A_35, %mul3A_36 : i32
        %get3A = arith.constant 1 : i32
        %get3A_38 = arith.index_cast %get3A : i32 to index
        %get3A_39 = arith.index_cast %mul3A_37 : i32 to index
        %get3A_40 = tpu.vector_load %arg5[%get3A_38, %get3A_39] {strides = array<i32>} : memref<2x128xi32, #tpu.memory_space<vmem>>, vector<16xi32>,
        tpu.vector_store_idx %arg6[%get3A_40], %broadcast_in_dim3A_16 {add = true} : memref<10000xf32, #tpu.memory_space<vmem>>[vector<16xi32>], vector<16xf32>,
      }
      %scan3A_34 = arith.constant 8 : i32
    } else {
    }
    "tpu.region"() ({
      %run_scoped3A = tpu.sem_alloc : memref<!tpu.dma_semaphore, #tpu.memory_space<semaphore_mem>>
      %dma_start3A_25 = arith.constant 0 : i32
      %dma_start3A_26 = tpu.memref_slice %arg3[%add3A, %dma_start3A_25] : memref<32x10000xf32, #tpu.memory_space<hbm>> -> memref<1x10000xf32, #tpu.memory_space<hbm>>
      %dma_start3A_27 = tpu.memref_squeeze %dma_start3A_26 : memref<1x10000xf32, #tpu.memory_space<hbm>> -> memref<10000xf32, #tpu.memory_space<hbm>>
      %dma_start3A_28 = arith.constant 0 : i32
      %dma_start3A_29 = tpu.memref_slice %arg3[%add3A, %dma_start3A_28] : memref<32x10000xf32, #tpu.memory_space<hbm>> -> memref<1x10000xf32, #tpu.memory_space<hbm>>
      %dma_start3A_30 = tpu.memref_squeeze %dma_start3A_29 : memref<1x10000xf32, #tpu.memory_space<hbm>> -> memref<10000xf32, #tpu.memory_space<hbm>>
      tpu.enqueue_dma source(%arg6 : memref<10000xf32, #tpu.memory_space<vmem>>) target(%dma_start3A_30 : memref<10000xf32, #tpu.memory_space<hbm>>) target_semaphore(%run_scoped3A : memref<!tpu.dma_semaphore, #tpu.memory_space<semaphore_mem>>)
      %dma_wait3A_31 = arith.constant 0 : i32
      %dma_wait3A_32 = tpu.memref_slice %arg3[%add3A, %dma_wait3A_31] : memref<32x10000xf32, #tpu.memory_space<hbm>> -> memref<1x10000xf32, #tpu.memory_space<hbm>>
      %dma_wait3A_33 = tpu.memref_squeeze %dma_wait3A_32 : memref<1x10000xf32, #tpu.memory_space<hbm>> -> memref<10000xf32, #tpu.memory_space<hbm>>
      %dma_wait3A_34 = arith.constant 0 : i32
      %dma_wait3A_35 = tpu.memref_slice %arg3[%add3A, %dma_wait3A_34] : memref<32x10000xf32, #tpu.memory_space<hbm>> -> memref<1x10000xf32, #tpu.memory_space<hbm>>
      %dma_wait3A_36 = tpu.memref_squeeze %dma_wait3A_35 : memref<1x10000xf32, #tpu.memory_space<hbm>> -> memref<10000xf32, #tpu.memory_space<hbm>>
      tpu.wait_dma2 semaphore(%run_scoped3A : memref<!tpu.dma_semaphore, #tpu.memory_space<semaphore_mem>>) src(%arg6 : memref<10000xf32, #tpu.memory_space<vmem>>) dst(%dma_wait3A_36 : memref<10000xf32, #tpu.memory_space<hbm>>)
      tpu.yield
    }) : () -> ()
    return
  }
}

module attributes {stable_mosaic.version = 14 : i64} {
  func.func @_tc1b_body(%arg0: memref<32x10000xf32, #tpu.memory_space<vmem>>, %arg1: memref<10000x128xf32, #tpu.memory_space<vmem>>, %arg2: memref<10000x128xbf16, #tpu.memory_space<vmem>>, %arg3: memref<10000x1xf32, #tpu.memory_space<vmem>>) attributes {dimension_semantics = [], scalar_prefetch = 0 : i64, scratch_operands = 0 : i64, tpu.core_type = #tpu.core_type<tc>} {
    %get3A = arith.constant 0 : index
    %get3A_0 = arith.constant 0 : index
    %get3A_1 = vector.load %arg0[%get3A, %get3A_0] : memref<32x10000xf32, #tpu.memory_space<vmem>>, vector<32x10000xf32>
    %reduce_sum3A = arith.constant dense<0.000000e+00> : vector<10000xf32>
    %reduce_sum3A_2 = vector.multi_reduction <add>, %get3A_1, %reduce_sum3A [0] : vector<32x10000xf32> to vector<10000xf32>
    %add3A = arith.constant 1.000000e+00 : f32
    %add3A_3 = vector.broadcast %add3A : f32 to vector<10000xf32>
    %add3A_4 = arith.addf %reduce_sum3A_2, %add3A_3 : vector<10000xf32>
    %rsqrt3A = math.rsqrt %add3A_4 : vector<10000xf32>
    %get3A_5 = arith.constant 0 : index
    %get3A_6 = arith.constant 0 : index
    %get3A_7 = vector.load %arg1[%get3A_5, %get3A_6] : memref<10000x128xf32, #tpu.memory_space<vmem>>, vector<10000x128xf32>
    %broadcast_in_dim3A = vector.shape_cast %rsqrt3A : vector<10000xf32> to vector<10000x1xf32>
    %mul3A = vector.broadcast %broadcast_in_dim3A : vector<10000x1xf32> to vector<10000x128xf32>
    %mul3A_8 = arith.mulf %get3A_7, %mul3A : vector<10000x128xf32>
    %convert_element_type3A = arith.truncf %mul3A_8 : vector<10000x128xf32> to vector<10000x128xbf16>
    %swap3A = arith.constant 0 : index
    %swap3A_9 = arith.constant 0 : index
    %swap3A_10 = vector.load %arg2[%swap3A, %swap3A_9] : memref<10000x128xbf16, #tpu.memory_space<vmem>>, vector<10000x128xbf16>
    tpu.vector_store %arg2[%swap3A, %swap3A_9], %convert_element_type3A {strides = array<i32>} : memref<10000x128xbf16, #tpu.memory_space<vmem>>, vector<10000x128xbf16>,
    %broadcast_in_dim3A_11 = vector.shape_cast %rsqrt3A : vector<10000xf32> to vector<10000x1xf32>
    %swap3A_12 = arith.constant 0 : index
    %swap3A_13 = arith.constant 0 : index
    %swap3A_14 = vector.load %arg3[%swap3A_12, %swap3A_13] : memref<10000x1xf32, #tpu.memory_space<vmem>>, vector<10000x1xf32>
    tpu.vector_store %arg3[%swap3A_12, %swap3A_13], %broadcast_in_dim3A_11 {strides = array<i32>} : memref<10000x1xf32, #tpu.memory_space<vmem>>, vector<10000x1xf32>,
    return
  }
}

module attributes {stable_mosaic.version = 14 : i64} {
  func.func @_tc1a_body(%arg0: i32, %arg1: memref<1000x128xf32, #tpu.memory_space<vmem>>, %arg2: memref<128x128xf32, #tpu.memory_space<vmem>>, %arg3: memref<1000x128xf32, #tpu.memory_space<vmem>>) attributes {dimension_semantics = [#tpu.dimension_semantics<arbitrary>], iteration_bounds = array<i64: 10>, scalar_prefetch = 0 : i64, scratch_operands = 0 : i64, tpu.core_type = #tpu.core_type<tc>, window_params = [{transform_indices = @transform_0, window_bounds = array<i64: 1000, 128>}, {pipeline_mode = #tpu.pipeline_mode<synchronous>, transform_indices = @transform_1, window_bounds = array<i64: 128, 128>}, {transform_indices = @transform_2, window_bounds = array<i64: 1000, 128>}]} {
    %get3A = arith.constant 0 : index
    %get3A_0 = arith.constant 0 : index
    %get3A_1 = vector.load %arg1[%get3A, %get3A_0] : memref<1000x128xf32, #tpu.memory_space<vmem>>, vector<1000x128xf32>
    %get3A_2 = arith.constant 0 : index
    %get3A_3 = arith.constant 0 : index
    %get3A_4 = vector.load %arg2[%get3A_2, %get3A_3] : memref<128x128xf32, #tpu.memory_space<vmem>>, vector<128x128xf32>
    %dot_general3A = arith.constant dense<0.000000e+00> : vector<1000x128xf32>
    %dot_general3A_5 = tpu.matmul %get3A_1, %get3A_4, %dot_general3A {dimension_numbers = #tpu.dot_dimension_numbers<[1], [0], [0], [1], [0, 0, 1, 1], [], []>, transpose_lhs_hint = false} : vector<1000x128xf32>, vector<128x128xf32>, vector<1000x128xf32> -> vector<1000x128xf32>
    %swap3A = arith.constant 0 : index
    %swap3A_6 = arith.constant 0 : index
    %swap3A_7 = vector.load %arg3[%swap3A, %swap3A_6] : memref<1000x128xf32, #tpu.memory_space<vmem>>, vector<1000x128xf32>
    tpu.vector_store %arg3[%swap3A, %swap3A_6], %dot_general3A_5 {strides = array<i32>} : memref<1000x128xf32, #tpu.memory_space<vmem>>, vector<1000x128xf32>,
    return
  }
  func.func @transform_0(%arg0: i32) -> (i32, i32) {
    %c0_i32 = arith.constant 0 : i32
    %c0_i32_0 = arith.constant 0 : i32
    return %arg0, %c0_i32 : i32, i32
  }
  func.func @transform_1(%arg0: i32) -> (i32, i32) {
    %c0_i32 = arith.constant 0 : i32
    %c0_i32_0 = arith.constant 0 : i32
    %c0_i32_1 = arith.constant 0 : i32
    return %c0_i32, %c0_i32_0 : i32, i32
  }
  func.func @transform_2(%arg0: i32) -> (i32, i32) {
    %c0_i32 = arith.constant 0 : i32
    %c0_i32_0 = arith.constant 0 : i32
    return %arg0, %c0_i32 : i32, i32
  }
}

module attributes {stable_mosaic.version = 14 : i64} {
  func.func @_tc2_body(%arg0: i32, %arg1: memref<2x1000x128xbf16, #tpu.memory_space<vmem>>, %arg2: memref<1000x128xbf16, #tpu.memory_space<vmem>>, %arg3: memref<1000x1xf32, #tpu.memory_space<vmem>>, %arg4: memref<1x128xf32, #tpu.memory_space<vmem>>, %arg5: memref<128x128xf32, #tpu.memory_space<vmem>>, %arg6: memref<1x128xf32, #tpu.memory_space<vmem>>, %arg7: memref<1000x128xf32, #tpu.memory_space<vmem>>) attributes {dimension_semantics = [#tpu.dimension_semantics<arbitrary>], iteration_bounds = array<i64: 10>, scalar_prefetch = 0 : i64, scratch_operands = 0 : i64, tpu.core_type = #tpu.core_type<tc>, window_params = [{transform_indices = @transform_0, window_bounds = array<i64: 2, 1000, 128>}, {transform_indices = @transform_1, window_bounds = array<i64: 1000, 128>}, {transform_indices = @transform_2, window_bounds = array<i64: 1000, 1>}, {pipeline_mode = #tpu.pipeline_mode<synchronous>, transform_indices = @transform_3, window_bounds = array<i64: 1, 128>}, {pipeline_mode = #tpu.pipeline_mode<synchronous>, transform_indices = @transform_4, window_bounds = array<i64: 128, 128>}, {pipeline_mode = #tpu.pipeline_mode<synchronous>, transform_indices = @transform_5, window_bounds = array<i64: 1, 128>}, {transform_indices = @transform_6, window_bounds = array<i64: 1000, 128>}]} {
    %get3A = arith.constant 0 : index
    %get3A_0 = arith.constant 0 : index
    %get3A_1 = vector.load %arg3[%get3A, %get3A_0] : memref<1000x1xf32, #tpu.memory_space<vmem>>, vector<1000x1xf32>
    %get3A_2 = arith.constant 0 : index
    %get3A_3 = arith.constant 0 : index
    %get3A_4 = arith.constant 0 : index
    %get3A_5 = vector.load %arg1[%get3A_2, %get3A_3, %get3A_4] : memref<2x1000x128xbf16, #tpu.memory_space<vmem>>, vector<1x1000x128xbf16>
    %get3A_6 = vector.shape_cast %get3A_5 : vector<1x1000x128xbf16> to vector<1000x128xbf16>
    %convert_element_type3A = arith.extf %get3A_6 : vector<1000x128xbf16> to vector<1000x128xf32>
    %get3A_7 = arith.constant 1 : index
    %get3A_8 = arith.constant 0 : index
    %get3A_9 = arith.constant 0 : index
    %get3A_10 = vector.load %arg1[%get3A_7, %get3A_8, %get3A_9] : memref<2x1000x128xbf16, #tpu.memory_space<vmem>>, vector<1x1000x128xbf16>
    %get3A_11 = vector.shape_cast %get3A_10 : vector<1x1000x128xbf16> to vector<1000x128xbf16>
    %convert_element_type3A_12 = arith.extf %get3A_11 : vector<1000x128xbf16> to vector<1000x128xf32>
    %add3A = arith.addf %convert_element_type3A, %convert_element_type3A_12 : vector<1000x128xf32>
    %get3A_13 = arith.constant 0 : index
    %get3A_14 = arith.constant 0 : index
    %get3A_15 = vector.load %arg2[%get3A_13, %get3A_14] : memref<1000x128xbf16, #tpu.memory_space<vmem>>, vector<1000x128xbf16>
    %convert_element_type3A_16 = arith.extf %get3A_15 : vector<1000x128xbf16> to vector<1000x128xf32>
    %add3A_17 = arith.addf %add3A, %convert_element_type3A_16 : vector<1000x128xf32>
    %mul3A = vector.broadcast %get3A_1 : vector<1000x1xf32> to vector<1000x128xf32>
    %mul3A_18 = arith.mulf %add3A_17, %mul3A : vector<1000x128xf32>
    %get3A_19 = arith.constant 0 : index
    %get3A_20 = arith.constant 0 : index
    %get3A_21 = vector.load %arg4[%get3A_19, %get3A_20] : memref<1x128xf32, #tpu.memory_space<vmem>>, vector<1x128xf32>
    %add3A_22 = vector.broadcast %get3A_21 : vector<1x128xf32> to vector<1000x128xf32>
    %add3A_23 = arith.addf %mul3A_18, %add3A_22 : vector<1000x128xf32>
    %get3A_24 = arith.constant 0 : index
    %get3A_25 = arith.constant 0 : index
    %get3A_26 = vector.load %arg5[%get3A_24, %get3A_25] : memref<128x128xf32, #tpu.memory_space<vmem>>, vector<128x128xf32>
    %dot_general3A = arith.constant dense<0.000000e+00> : vector<1000x128xf32>
    %dot_general3A_27 = tpu.matmul %add3A_23, %get3A_26, %dot_general3A {dimension_numbers = #tpu.dot_dimension_numbers<[1], [1], [0], [0], [0, 0, 1, 0], [], []>, transpose_lhs_hint = false} : vector<1000x128xf32>, vector<128x128xf32>, vector<1000x128xf32> -> vector<1000x128xf32>
    %get3A_28 = arith.constant 0 : index
    %get3A_29 = arith.constant 0 : index
    %get3A_30 = vector.load %arg6[%get3A_28, %get3A_29] : memref<1x128xf32, #tpu.memory_space<vmem>>, vector<1x128xf32>
    %add3A_31 = vector.broadcast %get3A_30 : vector<1x128xf32> to vector<1000x128xf32>
    %add3A_32 = arith.addf %dot_general3A_27, %add3A_31 : vector<1000x128xf32>
    %swap3A = arith.constant 0 : index
    %swap3A_33 = arith.constant 0 : index
    %swap3A_34 = vector.load %arg7[%swap3A, %swap3A_33] : memref<1000x128xf32, #tpu.memory_space<vmem>>, vector<1000x128xf32>
    tpu.vector_store %arg7[%swap3A, %swap3A_33], %add3A_32 {strides = array<i32>} : memref<1000x128xf32, #tpu.memory_space<vmem>>, vector<1000x128xf32>,
    return
  }
  func.func @transform_0(%arg0: i32) -> (i32, i32, i32) {
    %c0_i32 = arith.constant 0 : i32
    %c0_i32_0 = arith.constant 0 : i32
    %c0_i32_1 = arith.constant 0 : i32
    return %c0_i32, %arg0, %c0_i32_0 : i32, i32, i32
  }
  func.func @transform_1(%arg0: i32) -> (i32, i32) {
    %c0_i32 = arith.constant 0 : i32
    %c0_i32_0 = arith.constant 0 : i32
    return %arg0, %c0_i32 : i32, i32
  }
  func.func @transform_2(%arg0: i32) -> (i32, i32) {
    %c0_i32 = arith.constant 0 : i32
    %c0_i32_0 = arith.constant 0 : i32
    return %arg0, %c0_i32 : i32, i32
  }
  func.func @transform_3(%arg0: i32) -> (i32, i32) {
    %c0_i32 = arith.constant 0 : i32
    %c0_i32_0 = arith.constant 0 : i32
    %c0_i32_1 = arith.constant 0 : i32
    return %c0_i32, %c0_i32_0 : i32, i32
  }
  func.func @transform_4(%arg0: i32) -> (i32, i32) {
    %c0_i32 = arith.constant 0 : i32
    %c0_i32_0 = arith.constant 0 : i32
    %c0_i32_1 = arith.constant 0 : i32
    return %c0_i32, %c0_i32_0 : i32, i32
  }
  func.func @transform_5(%arg0: i32) -> (i32, i32) {
    %c0_i32 = arith.constant 0 : i32
    %c0_i32_0 = arith.constant 0 : i32
    %c0_i32_1 = arith.constant 0 : i32
    return %c0_i32, %c0_i32_0 : i32, i32
  }
  func.func @transform_6(%arg0: i32) -> (i32, i32) {
    %c0_i32 = arith.constant 0 : i32
    %c0_i32_0 = arith.constant 0 : i32
    return %arg0, %c0_i32 : i32, i32
  }
}

</mosaic_0001>

<sc_bundles>
// kernel: kernel.10.cloned.1.call-start
scs
__scs_entry_jumppad:
0x0: {  	(pc) =	sbr.rel $0x88, $3  }
0x1: {  	(tag) =	ssettag $0x0;
	lr =	simm.s32 $0x1  }
0x2: {  	[smem:$0x3F9B] =	sst lr;
	_ =	strace $0xD0000000  }
0x3: {  	_ = 	snop  }
0x4: {  	_ = 	snop  }
0x5: {  	_ = 	snop  }
0x6: {  	_ = 	snop  }
0x7: {  	_ = 	snop  }
__scs_overlays_trampoline_lowered:
0x8: {  	[smem:$0x3FAA] =	sst s0  }
0x9: {  	[smem:$0x3FAB] =	sst s1  }
0xa: {  	[smem:$0x3FAC] =	sst s2  }
0xb: {  	[smem:$0x3FAD] =	sst s3  }
0xc: {  	[smem:$0x3FAE] =	sst s4  }
0xd: {  	[smem:$0x3FAF] =	sst s5  }
0xe: {  	[smem:$0x3FB0] =	sst s6  }
0xf: {  	[smem:$0x3FB1] =	sst s7  }
0x10: {  	[smem:$0x3FB2] =	sst s8  }
0x11: {  	[smem:$0x3FB3] =	sst s9;
	s0 =	simm.s32 @!p0 $0x0  }
0x12: {  	s1 =	sld [smem:$0x3F99];
	s0 =	simm.s32 @p0 $0x1  }
0x13: {  	[smem:$0x3FB4] =	sst s0;
	s0 =	simm.s32 @!p1 $0x0  }
0x14: {  	s2 =	sld [smem:$0x3F98];
	s0 =	simm.s32 @p1 $0x1  }
0x15: {  	[smem:$0x3FB5] =	sst s0;
	s0 =	simm.s32 @!p2 $0x0  }
0x16: {  	s3 =	sld [smem:$0x3FDB];
	s0 =	simm.s32 @p2 $0x1  }
0x17: {  	s4 =	simm.s32 $0x1BF5;
	[smem:$0x3FB7] =	sst s0  }
0x18: {  	s0 =	sld [smem:$0x3F9A];
	_ =	swait.ge [sflag:s4], $0x0  }
0x19: {  	s7 =	sld [smem:$0x3F9B]  }
0x1a: {  	s8 =	sadd.s32 $0xFFFFE003, lr  }
0x1b: {  	s9 =	sadd.s32 $0xFFFFFEF7, lr;
	s5 =	simm.s32 $0xFFFFFFFF;
	p2 =	slt.u32 s8, $0xFFFFF086  }
0x1c: {  	p1 =	slt.u32 s9, $0xF7A;
	s5 =	simm.s32 @!p2 $0x0  }
0x1d: {  	s5 =	simm.s32 @p1 $0x1;
	p0 =	seq.s32 s7, s2  }
0x1e: {  	s7 =	smul.u32 @!p0 $0xF7A, s2;
	p2 =	seq.s32 @!p0 s5, $0x0  }
0x1f: {  	s9 =	smul.u32 $0xF7A, s1;
	s8 =	simm.s32 @!p0 $0x1BF5;
	p2 =	por !p2, p0  }
0x20: {  	[sflag:s8] =	ssyncset.s32 @!p0 $0xFFFFF086;
	s6 =	sadd.s32 @!p0 s3, s7;
	s7 =	simm.s32 @!p0 $0x108  }
0x21: {  	s3 =	sadd.s32 s3, s9;
	s6 =	sadd.s32 @!p0 $0x88, s6;
	s7 =	simm.s32 @p2 $0x1082  }
0x22: {  	[simem:s7], [sflag:s8] =	dma.local @!p0 [hbm:s6], $0xF7A  }
0x23: {  	s9 =	sor.u32 $0xD0000000, s2;
	s6 =	simm.s32 $0x108;
	_ =	swait.ge @!p0 [sflag:s8], $0x0  }
0x24: {  	s3 =	sadd.s32 $0x88, s3;
	s6 =	simm.s32 @!p1 $0x1082;
	[sflag:s4] =	ssyncset.s32 $0xFFFFF086  }
0x25: {  	[simem:s6], [sflag:s4] =	dma.local [hbm:s3], $0xF7A  }
0x26: {  	[smem:$0x3F9B] =	sst s1;
	(tag) =	ssettag s2;
	_ =	strace s9  }
0x27: {  	s1 =	sld [smem:$0x3FAB]  }
0x28: {  	s2 =	sld [smem:$0x3FAC]  }
0x29: {  	s4 =	sld [smem:$0x3FAE]  }
0x2a: {  	p0 =	seq.s32 s5, $0x0;
	s5 =	sld [smem:$0x3FAF]  }
0x2b: {  	s6 =	sld [smem:$0x3FB0]  }
0x2c: {  	s7 =	sld [smem:$0x3FB1]  }
0x2d: {  	s3 =	simm.s32 $0x108;
	s8 =	sld [smem:$0x3FB2]  }
0x2e: {  	s3 =	simm.s32 @!p0 $0x1082;
	s9 =	sld [smem:$0x3FB3]  }
0x2f: {  	lr =	sadd.s32 s0, s3;
	s0 =	sld [smem:$0x3FAA]  }
0x30: {  	s3 =	sld [smem:$0x3FAD]  }
0x31: {  	[smem:$0x3FB6] =	sst s10  }
0x32: {  	s10 =	sld [smem:$0x3FB4];
	_ =	sdelay $0x3  }
0x33: {  	p0 =	seq.s32 s10, $0x1;
	s10 =	sld [smem:$0x3FB6];
	_ =	sdelay $0x3  }
0x34: {  	[smem:$0x3FB6] =	sst s10  }
0x35: {  	s10 =	sld [smem:$0x3FB5];
	_ =	sdelay $0x3  }
0x36: {  	p1 =	seq.s32 s10, $0x1;
	s10 =	sld [smem:$0x3FB6];
	_ =	sdelay $0x3  }
0x37: {  	[smem:$0x3FB6] =	sst s10  }
0x38: {  	s10 =	sld [smem:$0x3FB7]  }
0x39: {  	_ = 	snop;
	(pc) =	sbr.ind lr, $3  }
0x3a: {  	_ = 	snop  }
0x3b: {  	_ = 	snop  }
0x3c: {  	p2 =	seq.s32 s10, $0x1;
	s10 =	sld [smem:$0x3FB6]  }
0x3d: {  	_ =	shalt  }
0x3e: {  	_ =	shalt  }
0x3f: {  	_ =	shalt  }
0x40: {  	_ =	shalt  }
0x41: {  	_ =	shalt  }
0x42: {  	_ =	shalt  }
0x43: {  	_ =	shalt  }
0x44: {  	_ =	shalt  }
0x45: {  	_ =	shalt  }
0x46: {  	_ =	shalt  }
0x47: {  	_ =	shalt  }
0x48: {  	_ =	shalt  }
0x49: {  	_ =	shalt  }
0x4a: {  	_ =	shalt  }
0x4b: {  	_ =	shalt  }
0x4c: {  	_ =	shalt  }
0x4d: {  	_ =	shalt  }
0x4e: {  	_ =	shalt  }
0x4f: {  	_ =	shalt  }
0x50: {  	_ =	shalt  }
0x51: {  	_ =	shalt  }
0x52: {  	_ =	shalt  }
0x53: {  	_ =	shalt  }
0x54: {  	_ =	shalt  }
0x55: {  	_ =	shalt  }
0x56: {  	_ =	shalt  }
0x57: {  	_ =	shalt  }
0x58: {  	_ =	shalt  }
0x59: {  	_ =	shalt  }
0x5a: {  	_ =	shalt  }
0x5b: {  	_ =	shalt  }
0x5c: {  	_ =	shalt  }
0x5d: {  	_ =	shalt  }
0x5e: {  	_ =	shalt  }
0x5f: {  	_ =	shalt  }
0x60: {  	_ =	shalt  }
0x61: {  	_ =	shalt  }
0x62: {  	_ =	shalt  }
0x63: {  	_ =	shalt  }
0x64: {  	_ =	shalt  }
0x65: {  	_ =	shalt  }
0x66: {  	_ =	shalt  }
0x67: {  	_ =	shalt  }
0x68: {  	_ =	shalt  }
0x69: {  	_ =	shalt  }
0x6a: {  	_ =	shalt  }
0x6b: {  	_ =	shalt  }
0x6c: {  	_ =	shalt  }
0x6d: {  	_ =	shalt  }
0x6e: {  	_ =	shalt  }
0x6f: {  	_ =	shalt  }
0x70: {  	_ =	shalt  }
0x71: {  	_ =	shalt  }
0x72: {  	_ =	shalt  }
0x73: {  	_ =	shalt  }
0x74: {  	_ =	shalt  }
0x75: {  	_ =	shalt  }
0x76: {  	_ =	shalt  }
0x77: {  	_ =	shalt  }
0x78: {  	_ =	shalt  }
0x79: {  	_ =	shalt  }
0x7a: {  	_ =	shalt  }
0x7b: {  	_ =	shalt  }
0x7c: {  	_ =	shalt  }
0x7d: {  	_ =	shalt  }
0x7e: {  	_ =	shalt  }
0x7f: {  	_ =	shalt  }
0x80: {  	_ =	shalt  }
0x81: {  	_ =	shalt  }
0x82: {  	_ =	shalt  }
0x83: {  	_ =	shalt  }
0x84: {  	_ =	shalt  }
0x85: {  	_ =	shalt  }
0x86: {  	_ =	shalt  }
0x87: {  	_ =	shalt  }
.Lfunc_end0:
.L_simem_size_0:
called_computation.1_lowered:
.L_overlay_start_0:
0x88: {  	s2 =	sld [smem:$0x3FD9]  }
0x89: {  	s3 =	sld [smem:$0x3FFE];
	_ =	sdelay $0x1  }
0x8a: {  	s1 =	srdreg.scid  }
0x8b: {  	s0 =	sand.u32 $0x1, s1  }
0x8c: {  	s17 =	sshll.u32 s0, $0xA;
	s2 =	sadd.s32 s3, s2  }
0x8d: {  	s2 =	sadd.s32 s2, s17  }
0x8e: {  	[smem:$0x3FC2] =	sst s2  }
0x8f: {  	_ = 	snop  }
0x90: {  	s2 =	sld [smem:$0x3FD0];
	(tm) =	ssettm $0x1  }
0x91: {  	s18 =	sld [smem:$0x3FFB];
	_ =	sdelay $0x3  }
0x92: {  	_ =	strace s18  }
0x93: {  	s3 =	sld [smem:$0x3FFC];
	_ =	sdelay $0x3  }
0x94: {  	_ =	strace s3  }
0x95: {  	s3 =	sld [smem:$0x3FFD];
	_ =	sdelay $0x3  }
0x96: {  	_ =	strace s3  }
0x97: {  	_ =	strace $0x8FFFFFFF  }
0x98: {  	s19 =	sld [smem:$0x3FDB];
	_ =	sdelay $0x1  }
0x99: {  	s4 =	simm.s32 $_scs_section_size  }
0x9a: {  	s5 =	simm.s32 $_size__tile_overlayer_lowered;
	s6 =	simm.s32 $_tile_overlayer_lowered  }
0x9b: {  	s22 =	simm.s32 $0x1BFF;
	s21 =	sshll.u32 s6, $0x1;
	s3 =	sadd.s32 s4, s19  }
0x9c: {  	s7 =	simm.s32 $0x0;
	s20 =	sshll.u32 s5, $0x1;
	s5 =	sadd.s32 s21, s3  }
0x9d: {  	[timem:s7], [sflag:s22] =	dma.local [hbm:s5], s20  }
0x9e: {  	_ =	swait.ge [sflag:s22], s20  }
0x9f: {  	s4 =	ssub.s32 $0x0, s20;
	[sflag:s22] =	ssyncset.done $0x0  }
0xa0: {  	[sflag:s22] =	ssyncadd.s32 s4;
	_ =	sdelay $0x1  }
0xa1: {  	s23 =	simm.s32 $0x1B8B  }
0xa2: {  	_ =	swait.ge [sflag:s23], $0x1  }
0xa3: {  	[sflag:s23] =	ssyncset.done $0x0  }
0xa4: {  	s25 =	simm.s32 $0x1B8E;
	s24 =	sld [smem:$0x3FFE];
	[sflag:s23] =	ssyncadd.s32 $0xFFFFFFFF  }
0xa5: {  	s26 =	simm.s32 $execute0_lowered;
	[smem:$0x3FD2] =	sst s25  }
0xa6: {  	s5 =	sshll.u32 s26, $0x1;
	_ =	strace $0x80000049;
	[dreg:$0x1] =	wrdreg $0xFFFFFFFF  }
0xa7: {  	s28 =	simm.s32 $_size_execute0_lowered;
	s3 =	sadd.s32 s3, s5;
	[dreg:$0x0] =	wrdreg $0x0  }
0xa8: {  	s5 =	sshll.u32 s28, $0x1;
	[dreg:$0x2] =	wrdreg s3  }
0xa9: {  	[dreg:$0x3] =	wrdreg s5  }
0xaa: {  	[dreg:$0x4] =	wrdreg $0xC0  }
0xab: {  	_ =	task [dreg:s7], $0x5FFFF  }
0xac: {  	[dreg:$0x1] =	wrdreg $0xFFFFFFFF  }
0xad: {  	[dreg:$0x0] =	wrdreg $0x60  }
0xae: {  	[dreg:$0x2] =	wrdreg s24  }
0xaf: {  	[dreg:$0x3] =	wrdreg s2  }
0xb0: {  	[dreg:$0x4] =	wrdreg $0x66000  }
0xb1: {  	[dreg:$0x5] =	wrdreg $0x9  }
0xb2: {  	_ =	task.clear_ibuf [dreg:s7], $0x6FFFF;
	_ =	strace $0x90000049  }
0xb3: {  	s29 =	simm.s32 $0x9;
	_ =	strace $0x8000004B  }
0xb4: {  	_ =	swait.ge [sflag:s29], $0x1  }
0xb5: {  	[sflag:s29] =	ssyncadd.s32 $0xFFFFFFFF  }
0xb6: {  	_ =	strace $0x9000004B  }
0xb7: {  	_ =	sfence  }
0xb8: {  	s30 =	sld [smem:$0x0];
	_ =	sdelay $0x2  }
0xb9: {  	s31 =	sshll.u32 s1, $0xD;
	s1 =	sshrl.u32 s1, $0x2  }
0xba: {  	s3 =	sand.u32 $0x4000, s31;
	s1 =	sadd.s32 s1, s30  }
0xbb: {  	s0 =	sor.u32 s3, s0;
	s1 =	sshll.u32 s1, $0x11  }
0xbc: {  	s0 =	sor.u32 s1, s0  }
0xbd: {  	s0 =	sadd.s32 $0x8F2B, s0  }
0xbe: {  	[sflag:s0] =	ssyncadd.remote.s32 $0x1  }
0xbf: {  	_ =	sfence.sel $0xFFFF  }
0xc0: {  	[dreg:$0x0] =	wrdreg $0xFFFFFFFF;
	(pc) =	sbr.abs _section_cstart, $3  }
0xc1: {  	[dreg:$0x1] =	wrdreg $0xFFFFFFFF  }
0xc2: {  	_ =	task.clear_ibuf [dreg:s7], $0x2FFFF;
	_ =	strace $0x9FFFFFFF  }
0xc3: {  	(tm) =	ssettm $0x7FFFFFFF  }
tec
execute0_lowered:
.L_overlay_start_1:
0x0: {  	(tag) =	ssettag $0x1  }
0x1: {  	s0 =	rddreg [dreg:$0x0]  }
0x2: {  	s2 =	rddreg [dreg:$0x1]  }
0x3: {  	s1 =	rddreg [dreg:$0x2];
	s17 =	simm.s32 $0x0;
	s3 =	srdreg.scid  }
0x4: {  	s12 =	stileid.u32;
	s28 =	simm.s32 $0x600;
	s29 =	simm.s32 $0xA  }
0x5: {  	s30 =	simm.s32 $0x80;
	s31 =	simm.s32 $0x4E200;
	[smem:$0x7FF] =	sst s17  }
0x6: {  	s3 =	sand.u32 $0x1, s3;
	s5 =	sadd.s32 $0x1800, s0;
	s7 =	smul.u32 $0x27000, s12  }
0x7: {  	s4 =	sadd.s32 $0x15200, s0;
	s9 =	smul.u32 $0x13800, s12;
	s19 =	sshll.u32 s12, $0x1  }
0x8: {  	s0 =	sadd.s32 $0x1810, s0;
	p0 =	sne.s32 s12, $0x0;
	p1 =	sgt.u32 s12, $0x1  }
0x9: {  	_ =	strace $0x8000004A;
	s6 =	ssub.s32 $0x2, s3;
	s16 =	smul.u32 $0x138800, s3  }
0xa: {  	s8 =	sshrl.u32 s6, $0x1;
	s7 =	sshrl.u32 s7, $0x2;
	s10 =	sshrl.u32 s9, $0x1  }
0xb: {  	s6 =	ssub.s32 s6, s8;
	s8 =	sor.u32 s3, s19;
	s19 =	smul.u32 $0x9C, s12  }
0xc: {  	s7 =	sadd.s32 s7, s1;
	s26 =	sadd.s32 s10, s1;
	s3 =	smul.u32 $0x4E, s3  }
0xd: {  	s12 =	simm.s32 $0x3;
	s20 =	sadd.s32 $0x2000, s7;
	[dreg:$0x5] =	wrdreg s26  }
0xe: {  	s21 =	smul.u32 $0x2700, s8;
	s11 =	sadd.s32 $0x4000, s7;
	[dreg:$0x6] =	wrdreg s20  }
0xf: {  	s22 =	sadd.s32 $0x6000, s7;
	s23 =	smul.u32 $0x4E0, s8;
	[dreg:$0x7] =	wrdreg s11  }
0x10: {  	s7 =	sadd.s32 $0x8000, s7;
	s8 =	sshll.u32 s8, $0x4;
	[dreg:$0x8] =	wrdreg s22  }
0x11: {  	[dreg:$0x9] =	wrdreg s7;
	s20 =	sadd.s32 s8, s5;
	s22 =	sshrl.u32 s16, $0x4  }
0x12: {  	s3 =	sadd.s32 s3, s19;
	s11 =	simm.s32 $0x2600;
	s19 =	simm.s32 $0x9  }
0x13: {  	s24 =	sshrl.u32 s21, $0x3;
	s25 =	sadd.s32 s5, s23;
	s13 =	sadd.s32 s23, s0  }
0x14: {  	s21 =	sadd.s32 s9, s16;
	s8 =	sadd.s32 s2, s22;
	[dreg:$0xa] =	wrdreg s25  }
0x15: {  	s16 =	simm.s32 $0x8;
	[dreg:$0xb] =	wrdreg s13;
	s23 =	sadd.s32 $0x13800, s8  }
0x16: {  	s7 =	sadd.s32 s5, s24;
	s25 =	smax.u32 s6, $0x1;
	[dreg:$0x12] =	wrdreg s23  }
0x17: {  	s9 =	simm.s32 $0x6;
	s14 =	sadd.s32 $0x20, s7;
	[dreg:$0x13] =	wrdreg s25  }
0x18: {  	s24 =	sshll.u32 s3, $0x4;
	s15 =	sadd.s32 $0x30, s7;
	[dreg:$0xc] =	wrdreg s14  }
0x19: {  	s8 =	simm.s32 $0x500;
	s18 =	sadd.s32 $0x40, s7;
	[dreg:$0xd] =	wrdreg s15  }
0x1a: {  	s13 =	simm.s32 $0x4600;
	s7 =	sadd.s32 $0x50, s7;
	[dreg:$0xe] =	wrdreg s18  }
0x1b: {  	s0 =	sadd.s32 s0, s24;
	[dreg:$0xf] =	wrdreg s7;
	s7 =	sadd.s32 $0x9C00, s20  }
0x1c: {  	s20 =	sadd.s32 $0xA0, s0;
	s22 =	sadd.s32 $0x80, s0;
	s14 =	simm.s32 $0x7  }
.Ltmp0:
0x1d: {  	[dreg:$0x10] =	wrdreg s7;
	s7 =	sshrl.u32 s21, $0x4;
	(pc) =	sbr.rel .LBB2_1-.Ltmp0, $4  }
0x1e: {  	s15 =	simm.s32 $0x4;
	s18 =	simm.s32 $0x5;
	s2 =	sadd.s32 s2, s7  }
0x1f: {  	s7 =	sadd.s32 $0x9C000, s1;
	[dreg:$0x11] =	wrdreg s2;
	s2 =	sadd.s32 s5, s24  }
0x20: {  	s24 =	sadd.s32 $0x60, s0;
	s5 =	simm.s32 $0x580;
	[dreg:$0x14] =	wrdreg s7  }
0x21: {  	v0 =	vimm.bf16 $0.0e+00;
	s21 =	sadd.s32 $0xA0, s2;
	s23 =	sadd.s32 $0x80, s2;
	s25 =	sadd.s32 $0x60, s2  }
.LBB2_6:
0x22: {  	s0 =	simm.s32 @!p1 $0x80  }
0x23: {  	s2 =	simm.s32 @!p1 $0x4E200;
	s3 =	simm.s32 @!p1 $0x0;
	s6 =	rddreg [dreg:$0x10]  }
0x24: {  	[tilespmem:s3], [sflag:$0xA] =	stream.strided.gather @!p1 [hbm4b:s6+s0], $0x100, s2, s0, $0x38;
	[tilespmem:$0x10240] =	vst v63  }
0x25: {  	s2 =	simm.s32 @!p1 $0xA  }
0x26: {  	_ =	swait.ge @!p1 [sflag:s2], $0x100  }
0x27: {  	[sflag:s2] =	ssyncset.done @!p1 $0x0  }
0x28: {  	s6 =	simm.s32 @!p1 $0x600;
	[sflag:s2] =	ssyncadd.s32 @!p1 $0xFFFFFF00  }
0x29: {  	[tilespmem:s6], [sflag:$0x7] =	stream.indirect.gather @!p1 [hbm4b:s4+s0], $0x40, s3, s0, $0xb8;
	[tilespmem:$0x10240] =	vst v63  }
0x2a: {  	s3 =	simm.s32 @!p1 $0x7  }
0x2b: {  	_ =	swait.ge @!p1 [sflag:s3], $0x2000  }
0x2c: {  	[sflag:s3] =	ssyncset.done @!p1 $0x0  }
0x2d: {  	[sflag:s3] =	ssyncadd.s32 @!p1 $0xFFFFE000  }
0x2e: {  	[spmem:s1] =	stream.indirect.scatter.add.bf16 @!p1 [tilespmem:s6], [sflag:$0xA], $0x40, s0, s0, $0xb8;
	[tilespmem:$0x10240] =	vst v63  }
0x2f: {  	_ =	swait.ge @!p1 [sflag:s2], $0x2000  }
0x30: {  	[sflag:s2] =	ssyncset.done @!p1 $0x0  }
0x31: {  	[sflag:s2] =	ssyncadd.s32 @!p1 $0xFFFFE000  }
0x32: {  	s3 =	stileid.u32;
	[bflag:$0x0] =	sbarrier.arrive $0xFFFF  }
0x33: {  	s0 =	sshll.u32 s3, $0x6;
	s26 =	rddreg [dreg:$0x5]  }
0x34: {  	s0 =	sor.u32 $0x1C0A, s0;
	s7 =	rddreg [dreg:$0x11];
	s6 =	sshrl.u32 s26, $0x3  }
0x35: {  	[hbm:s7], [sflag:s0] =	dma.local [spmem:s6], $0x1380  }
0x36: {  	_ =	swait.ge [sflag:s29], $0x1380  }
0x37: {  	[sflag:s29] =	ssyncset.done $0x0;
	s7 =	rddreg [dreg:$0x14]  }
0x38: {  	s3 =	rddreg [dreg:$0x12];
	[sflag:s29] =	ssyncadd.s32 $0xFFFFEC80;
	s2 =	sshrl.u32 @!p0 s7, $0x3  }
0x39: {  	[hbm:s3], [sflag:s0] =	dma.local @!p0 [spmem:s2], $0x80  }
0x3a: {  	s0 =	simm.s32 @!p0 $0xA  }
0x3b: {  	_ =	swait.ge @!p0 [sflag:s0], $0x80  }
0x3c: {  	s17 =	rddreg [dreg:$0x4]  }
0x3d: {  	s10 =	rddreg [dreg:$0x13];
	s17 =	sadd.s32 $0x1, s17  }
0x3e: {  	p2 =	sne.s32 s17, s10  }
.Ltmp1:
0x3f: {  	_ = 	snop;
	(pc) =	sbr.rel @!p2 .LBB2_7-.Ltmp1, $3  }
0x40: {  	_ =	sdelay $0x1  }
0x41: {  	[sflag:s0] =	ssyncset.done @!p0 $0x0  }
0x42: {  	[sflag:s0] =	ssyncadd.s32 @!p0 $0xFFFFFF80  }
.LBB2_1:
0x43: {  	[dreg:$0x4] =	wrdreg s17;
	s3 =	simm.s32 $0x100;
	s2 =	simm.s32 $0x0  }
.LBB2_2:
0x44: {  	p2 =	sne.s32 s3, $0x7F00;
	[tilespmem:s2+$0x630] =	vst v0;
	s6 =	smov.u32 s3;
	s3 =	sadd.s32 $0x100, s3  }
.Ltmp2:
0x45: {  	[tilespmem:s2+$0x620] =	vst v0;
	(pc) =	sbr.rel @p2 .LBB2_2-.Ltmp2, $3  }
0x46: {  	[tilespmem:s2+$0x600] =	vst v0  }
0x47: {  	[tilespmem:s2+$0x610] =	vst v0;
	_ =	sdelay $0x1  }
0x48: {  	s2 =	sshra.s32 s6, $0x2  }
0x49: {  	[tilespmem:s2+$0x630] =	vst v0  }
0x4a: {  	[tilespmem:s2+$0x620] =	vst v0  }
0x4b: {  	[tilespmem:s2+$0x600] =	vst v0  }
0x4c: {  	[tilespmem:s2+$0x610] =	vst v0  }
0x4d: {  	[spmem:s26] =	stream.linear.scatter [tilespmem:s28], [sflag:$0xA], $0x2000, $0x38;
	[tilespmem:$0x10240] =	vst v63  }
0x4e: {  	_ =	swait.ge [sflag:s29], $0x2000  }
0x4f: {  	[sflag:s29] =	ssyncset.done $0x0  }
0x50: {  	s0 =	rddreg [dreg:$0x6];
	[sflag:s29] =	ssyncadd.s32 $0xFFFFE000  }
0x51: {  	[spmem:s0] =	stream.linear.scatter [tilespmem:s28], [sflag:$0xA], $0x2000, $0x38;
	[tilespmem:$0x10240] =	vst v63  }
0x52: {  	_ =	swait.ge [sflag:s29], $0x2000  }
0x53: {  	[sflag:s29] =	ssyncset.done $0x0  }
0x54: {  	s17 =	rddreg [dreg:$0x7];
	[sflag:s29] =	ssyncadd.s32 $0xFFFFE000  }
0x55: {  	[spmem:s17] =	stream.linear.scatter [tilespmem:s28], [sflag:$0xA], $0x2000, $0x38;
	[tilespmem:$0x10240] =	vst v63  }
0x56: {  	_ =	swait.ge [sflag:s29], $0x2000  }
0x57: {  	[sflag:s29] =	ssyncset.done $0x0  }
0x58: {  	s26 =	rddreg [dreg:$0x8];
	[sflag:s29] =	ssyncadd.s32 $0xFFFFE000  }
0x59: {  	[spmem:s26] =	stream.linear.scatter [tilespmem:s28], [sflag:$0xA], $0x2000, $0x38;
	[tilespmem:$0x10240] =	vst v63  }
0x5a: {  	_ =	swait.ge [sflag:s29], $0x2000  }
0x5b: {  	[sflag:s29] =	ssyncset.done $0x0  }
0x5c: {  	s2 =	rddreg [dreg:$0x9];
	[sflag:s29] =	ssyncadd.s32 $0xFFFFE000  }
0x5d: {  	[spmem:s2] =	stream.linear.scatter [tilespmem:s28], [sflag:$0xA], $0x1C00, $0x38;
	[tilespmem:$0x10240] =	vst v63  }
0x5e: {  	_ =	swait.ge [sflag:s29], $0x1C00  }
0x5f: {  	[sflag:s29] =	ssyncset.done $0x0  }
0x60: {  	s2 =	simm.s32 @!p0 $0x600;
	[sflag:s29] =	ssyncadd.s32 $0xFFFFE400  }
0x61: {  	[spmem:s7] =	stream.linear.scatter @!p0 [tilespmem:s2], [sflag:$0xA], $0x400, $0x38;
	[tilespmem:$0x10240] =	vst v63  }
0x62: {  	s2 =	simm.s32 @!p0 $0xA  }
0x63: {  	_ =	swait.ge @!p0 [sflag:s2], $0x400  }
0x64: {  	[sflag:s2] =	ssyncset.done @!p0 $0x0  }
0x65: {  	[sflag:s2] =	ssyncadd.s32 @!p0 $0xFFFFFC00  }
0x66: {  	[bflag:$0x0] =	sbarrier.arrive $0xFFFF  }
0x67: {  	s26 =	simm.s32 $0x0;
	s3 =	rddreg [dreg:$0xa]  }
0x68: {  	[tilespmem:s26], [sflag:$0x1] =	stream.strided.gather [hbm4b:s3+s30], $0x100, s31, s30, $0x38;
	[tilespmem:$0x10240] =	vst v63  }
0x69: {  	s2 =	simm.s32 $0x100;
	s6 =	rddreg [dreg:$0xb]  }
0x6a: {  	[tilespmem:s2], [sflag:$0x2] =	stream.strided.gather [hbm4b:s6+s30], $0x100, s31, s30, $0x38;
	[tilespmem:$0x10240] =	vst v63  }
0x6b: {  	s7 =	rddreg [dreg:$0xc];
	s3 =	simm.s32 $0x200  }
0x6c: {  	[tilespmem:s3], [sflag:$0x3] =	stream.strided.gather [hbm4b:s7+s30], $0x100, s31, s30, $0x38;
	[tilespmem:$0x10240] =	vst v63  }
0x6d: {  	s17 =	simm.s32 $0x300;
	s10 =	rddreg [dreg:$0xd]  }
0x6e: {  	[tilespmem:s17], [sflag:$0x4] =	stream.strided.gather [hbm4b:s10+s30], $0x100, s31, s30, $0x38;
	[tilespmem:$0x10240] =	vst v63  }
0x6f: {  	s6 =	simm.s32 $0x400;
	s3 =	rddreg [dreg:$0xe]  }
0x70: {  	[tilespmem:s6], [sflag:$0x5] =	stream.strided.gather [hbm4b:s3+s30], $0x100, s31, s30, $0x38;
	[tilespmem:$0x10240] =	vst v63  }
0x71: {  	s7 =	rddreg [dreg:$0xf];
	s10 =	simm.s32 $0x1  }
0x72: {  	[tilespmem:s8], [sflag:$0x6] =	stream.strided.gather [hbm4b:s7+s30], $0x100, s31, s30, $0x38;
	[tilespmem:$0x10240] =	vst v63  }
0x73: {  	_ =	swait.ge [sflag:s10], $0x100  }
0x74: {  	[sflag:s10] =	ssyncset.done $0x0  }
0x75: {  	s17 =	simm.s32 $0x2;
	[sflag:s10] =	ssyncadd.s32 $0xFFFFFF00  }
0x76: {  	[tilespmem:s28], [sflag:$0x7] =	stream.indirect.gather [hbm4b:s4+s30], $0x40, s26, s30, $0xb8;
	[tilespmem:$0x10240] =	vst v63  }
0x77: {  	_ =	swait.ge [sflag:s17], $0x100  }
0x78: {  	[sflag:s17] =	ssyncset.done $0x0  }
0x79: {  	[sflag:s17] =	ssyncadd.s32 $0xFFFFFF00  }
0x7a: {  	[tilespmem:s11], [sflag:$0x8] =	stream.indirect.gather [hbm4b:s4+s30], $0x40, s2, s30, $0xb8;
	[tilespmem:$0x10240] =	vst v63  }
.LBB2_4:
0x7b: {  	_ =	swait.ge [sflag:s12], $0x100  }
0x7c: {  	[sflag:s12] =	ssyncset.done $0x0  }
0x7d: {  	s0 =	simm.s32 $0x200;
	[sflag:s12] =	ssyncadd.s32 $0xFFFFFF00  }
0x7e: {  	[tilespmem:s13], [sflag:$0x9] =	stream.indirect.gather [hbm4b:s4+s30], $0x40, s0, s30, $0xb8;
	[tilespmem:$0x10240] =	vst v63  }
0x7f: {  	_ =	swait.ge [sflag:s14], $0x2000  }
0x80: {  	[sflag:s14] =	ssyncset.done $0x0  }
0x81: {  	[sflag:s14] =	ssyncadd.s32 $0xFFFFE000  }
0x82: {  	[spmem:s1] =	stream.indirect.scatter.add.bf16 [tilespmem:s28], [sflag:$0xA], $0x40, s30, s30, $0xb8;
	[tilespmem:$0x10240] =	vst v63  }
0x83: {  	p2 =	seq.s32 s26, $0x480;
	_ =	swait.ge [sflag:s29], $0x2000  }
0x84: {  	s6 =	sadd.s32 @!p2 s26, s25;
	s2 =	simm.s32 @!p2 $0x80;
	[sflag:s29] =	ssyncset.done $0x0  }
0x85: {  	s3 =	simm.s32 @!p2 $0x4E200;
	s7 =	simm.s32 @!p2 $0x0;
	[sflag:s29] =	ssyncadd.s32 $0xFFFFE000  }
0x86: {  	[tilespmem:s7], [sflag:$0x1] =	stream.strided.gather @!p2 [hbm4b:s6+s2], $0x100, s3, s2, $0x38;
	[tilespmem:$0x10240] =	vst v63  }
0x87: {  	_ =	swait.ge [sflag:s15], $0x100  }
0x88: {  	[sflag:s15] =	ssyncset.done $0x0  }
0x89: {  	s6 =	simm.s32 $0x300;
	[sflag:s15] =	ssyncadd.s32 $0xFFFFFF00  }
0x8a: {  	[tilespmem:s28], [sflag:$0x7] =	stream.indirect.gather [hbm4b:s4+s30], $0x40, s6, s30, $0xb8;
	[tilespmem:$0x10240] =	vst v63  }
0x8b: {  	_ =	swait.ge [sflag:s16], $0x2000  }
0x8c: {  	[sflag:s16] =	ssyncset.done $0x0  }
0x8d: {  	s10 =	simm.s32 $0x180;
	[sflag:s16] =	ssyncadd.s32 $0xFFFFE000  }
0x8e: {  	[spmem:s1] =	stream.indirect.scatter.add.bf16 [tilespmem:s11], [sflag:$0xA], $0x40, s10, s30, $0xb8;
	[tilespmem:$0x10240] =	vst v63  }
0x8f: {  	_ =	swait.ge [sflag:s29], $0x2000  }
0x90: {  	[sflag:s29] =	ssyncset.done $0x0  }
0x91: {  	s17 =	sadd.s32 @!p2 s26, s24;
	s6 =	simm.s32 @!p2 $0x100;
	[sflag:s29] =	ssyncadd.s32 $0xFFFFE000  }
0x92: {  	[tilespmem:s6], [sflag:$0x2] =	stream.strided.gather @!p2 [hbm4b:s17+s2], $0x100, s3, s2, $0x38;
	[tilespmem:$0x10240] =	vst v63  }
0x93: {  	_ =	swait.ge [sflag:s18], $0x100  }
0x94: {  	[sflag:s18] =	ssyncset.done $0x0  }
0x95: {  	s17 =	simm.s32 $0x400;
	[sflag:s18] =	ssyncadd.s32 $0xFFFFFF00  }
0x96: {  	[tilespmem:s11], [sflag:$0x8] =	stream.indirect.gather [hbm4b:s4+s30], $0x40, s17, s30, $0xb8;
	[tilespmem:$0x10240] =	vst v63  }
0x97: {  	_ =	swait.ge [sflag:s19], $0x2000  }
0x98: {  	[sflag:s19] =	ssyncset.done $0x0  }
0x99: {  	s10 =	simm.s32 $0x280;
	[sflag:s19] =	ssyncadd.s32 $0xFFFFE000  }
0x9a: {  	[spmem:s1] =	stream.indirect.scatter.add.bf16 [tilespmem:s13], [sflag:$0xA], $0x40, s10, s30, $0xb8;
	[tilespmem:$0x10240] =	vst v63  }
0x9b: {  	_ =	swait.ge [sflag:s29], $0x2000  }
0x9c: {  	[sflag:s29] =	ssyncset.done $0x0  }
0x9d: {  	s0 =	simm.s32 @!p2 $0x200;
	s17 =	sadd.s32 @!p2 s26, s23;
	[sflag:s29] =	ssyncadd.s32 $0xFFFFE000  }
0x9e: {  	[tilespmem:s0], [sflag:$0x3] =	stream.strided.gather @!p2 [hbm4b:s17+s2], $0x100, s3, s2, $0x38;
	[tilespmem:$0x10240] =	vst v63  }
0x9f: {  	_ =	swait.ge [sflag:s9], $0x100  }
0xa0: {  	[sflag:s9] =	ssyncset.done $0x0  }
0xa1: {  	[sflag:s9] =	ssyncadd.s32 $0xFFFFFF00  }
0xa2: {  	[tilespmem:s13], [sflag:$0x9] =	stream.indirect.gather [hbm4b:s4+s30], $0x40, s8, s30, $0xb8;
	[tilespmem:$0x10240] =	vst v63  }
0xa3: {  	_ =	swait.ge [sflag:s14], $0x2000  }
0xa4: {  	[sflag:s14] =	ssyncset.done $0x0  }
0xa5: {  	s17 =	simm.s32 $0x380;
	[sflag:s14] =	ssyncadd.s32 $0xFFFFE000  }
0xa6: {  	[spmem:s1] =	stream.indirect.scatter.add.bf16 [tilespmem:s28], [sflag:$0xA], $0x40, s17, s30, $0xb8;
	[tilespmem:$0x10240] =	vst v63  }
0xa7: {  	_ =	swait.ge [sflag:s29], $0x2000  }
0xa8: {  	[sflag:s29] =	ssyncset.done $0x0  }
0xa9: {  	s0 =	simm.s32 @p2 $0x8;
	[sflag:s29] =	ssyncadd.s32 $0xFFFFE000  }
0xaa: {  	_ =	swait.ge @p2 [sflag:s0], $0x2000  }
0xab: {  	s10 =	simm.s32 @p2 $0x2600;
	[sflag:s0] =	ssyncset.done @p2 $0x0  }
0xac: {  	s17 =	simm.s32 @p2 $0x480;
	[sflag:s0] =	ssyncadd.s32 @p2 $0xFFFFE000;
	s0 =	simm.s32 @p2 $0x80  }
0xad: {  	[spmem:s1] =	stream.indirect.scatter.add.bf16 @p2 [tilespmem:s10], [sflag:$0xA], $0x40, s17, s0, $0xb8;
	[tilespmem:$0x10240] =	vst v63  }
0xae: {  	s0 =	simm.s32 @p2 $0xA  }
0xaf: {  	_ =	swait.ge @p2 [sflag:s0], $0x2000  }
0xb0: {  	[sflag:s0] =	ssyncset.done @p2 $0x0  }
0xb1: {  	s10 =	simm.s32 @!p2 $0x300;
	[sflag:s0] =	ssyncadd.s32 @p2 $0xFFFFE000;
	s0 =	sadd.s32 @!p2 s26, s22  }
0xb2: {  	[tilespmem:s10], [sflag:$0x4] =	stream.strided.gather @!p2 [hbm4b:s0+s2], $0x100, s3, s2, $0x38;
	[tilespmem:$0x10240] =	vst v63  }
0xb3: {  	s0 =	simm.s32 @!p2 $0x1  }
0xb4: {  	_ =	swait.ge @!p2 [sflag:s0], $0x100  }
0xb5: {  	[sflag:s0] =	ssyncset.done @!p2 $0x0  }
0xb6: {  	[sflag:s0] =	ssyncadd.s32 @!p2 $0xFFFFFF00;
	s0 =	simm.s32 @!p2 $0x600  }
0xb7: {  	[tilespmem:s0], [sflag:$0x7] =	stream.indirect.gather @!p2 [hbm4b:s4+s2], $0x40, s7, s2, $0xb8;
	[tilespmem:$0x10240] =	vst v63  }
0xb8: {  	s0 =	simm.s32 @!p2 $0x8  }
0xb9: {  	_ =	swait.ge @!p2 [sflag:s0], $0x2000  }
0xba: {  	[sflag:s0] =	ssyncset.done @!p2 $0x0  }
0xbb: {  	s7 =	simm.s32 @!p2 $0x2600;
	[sflag:s0] =	ssyncadd.s32 @!p2 $0xFFFFE000;
	s0 =	simm.s32 @!p2 $0x480  }
0xbc: {  	[spmem:s1] =	stream.indirect.scatter.add.bf16 @!p2 [tilespmem:s7], [sflag:$0xA], $0x40, s0, s2, $0xb8;
	[tilespmem:$0x10240] =	vst v63  }
0xbd: {  	s0 =	simm.s32 @!p2 $0xA  }
0xbe: {  	_ =	swait.ge @!p2 [sflag:s0], $0x2000  }
0xbf: {  	[sflag:s0] =	ssyncset.done @!p2 $0x0  }
0xc0: {  	s10 =	simm.s32 @!p2 $0x400;
	[sflag:s0] =	ssyncadd.s32 @!p2 $0xFFFFE000;
	s0 =	sadd.s32 @!p2 s26, s21  }
0xc1: {  	[tilespmem:s10], [sflag:$0x5] =	stream.strided.gather @!p2 [hbm4b:s0+s2], $0x100, s3, s2, $0x38;
	[tilespmem:$0x10240] =	vst v63  }
0xc2: {  	s0 =	simm.s32 @!p2 $0x2  }
0xc3: {  	_ =	swait.ge @!p2 [sflag:s0], $0x100  }
0xc4: {  	[sflag:s0] =	ssyncset.done @!p2 $0x0  }
0xc5: {  	[sflag:s0] =	ssyncadd.s32 @!p2 $0xFFFFFF00  }
0xc6: {  	[tilespmem:s7], [sflag:$0x8] =	stream.indirect.gather @!p2 [hbm4b:s4+s2], $0x40, s6, s2, $0xb8;
	[tilespmem:$0x10240] =	vst v63  }
0xc7: {  	_ =	swait.ge [sflag:s19], $0x2000  }
0xc8: {  	[sflag:s19] =	ssyncset.done $0x0  }
.Ltmp3:
0xc9: {  	[sflag:s19] =	ssyncadd.s32 $0xFFFFE000;
	(pc) =	sbr.rel @p2 .LBB2_6-.Ltmp3, $4  }
0xca: {  	[spmem:s1] =	stream.indirect.scatter.add.bf16 [tilespmem:s13], [sflag:$0xA], $0x40, s5, s30, $0xb8;
	[tilespmem:$0x10240] =	vst v63  }
0xcb: {  	_ =	swait.ge [sflag:s29], $0x2000  }
0xcc: {  	[sflag:s29] =	ssyncset.done $0x0  }
0xcd: {  	[sflag:s29] =	ssyncadd.s32 $0xFFFFE000  }
.Ltmp4:
0xce: {  	(pc) =	sbr.rel .LBB2_4-.Ltmp4, $3  }
0xcf: {  	_ =	sdelay $0x1  }
0xd0: {  	s0 =	sadd.s32 s26, s20;
	s26 =	sadd.s32 $0x60, s26  }
0xd1: {  	[tilespmem:s8], [sflag:$0x6] =	stream.strided.gather [hbm4b:s0+s30], $0x100, s31, s30, $0x38;
	[tilespmem:$0x10240] =	vst v63  }
.LBB2_7:
0xd2: {  	_ =	sfence.sel $0x180000  }
0xd3: {  	[bflag:$0x0] =	sbarrier.arrive $0xFFFF  }
0xd4: {  	_ =	strace $0x9000004A  }
0xd5: {  	[bflag:$0x2] =	sbarrier.arrive $0xFFFF  }
0xd6: {  	s0 =	rddreg [dreg:$0x3]  }
0xd7: {  	s0 =	sadd.s32 @!p0 $0x100000, s0  }
0xd8: {  	[sflag:s0] =	ssyncadd.tile.s32 @!p0 $0x1;
	_ =	shalt  }
.Lfunc_end2:
_tile_overlayer_lowered:
.L_overlay_start_2:
0xd9: {  	(tag) =	ssettag $0x2  }
0xda: {  	s0 =	rddreg [dreg:$0x0];
	s2 =	stileid.u32  }
0xdb: {  	s1 =	rddreg [dreg:$0x1];
	p0 =	sne.s32 s2, $0x0  }
0xdc: {  	s3 =	rddreg [dreg:$0x2];
	[bflag:$0x3] =	sbarrier.arrive $0xFFFF;
	s2 =	simm.s32 @!p0 $0x1C0A  }
0xdd: {  	[timem:s3], [sflag:s2] =	dma.local @!p0 [hbm:s0], s1  }
0xde: {  	s0 =	simm.s32 @!p0 $0xA  }
0xdf: {  	_ =	swait.ge @!p0 [sflag:s0], s1  }
0xe0: {  	s1 =	ssub.s32 @!p0 $0x0, s1;
	[sflag:s0] =	ssyncset.done @!p0 $0x0  }
0xe1: {  	[sflag:s0] =	ssyncadd.s32 @!p0 s1  }
0xe2: {  	[bflag:$0x3] =	sbarrier.arrive $0xFFFF  }
0xe3: {  	_ =	shalt  }

// kernel: kernel.7.cloned.1.call-start
scs
__scs_entry_jumppad:
0x0: {  	(pc) =	sbr.rel $0x88, $3  }
0x1: {  	(tag) =	ssettag $0x0;
	lr =	simm.s32 $0x1  }
0x2: {  	[smem:$0x3F9B] =	sst lr;
	_ =	strace $0xD0000000  }
0x3: {  	_ = 	snop  }
0x4: {  	_ = 	snop  }
0x5: {  	_ = 	snop  }
0x6: {  	_ = 	snop  }
0x7: {  	_ = 	snop  }
__scs_overlays_trampoline_lowered:
0x8: {  	[smem:$0x3FAA] =	sst s0  }
0x9: {  	[smem:$0x3FAB] =	sst s1  }
0xa: {  	[smem:$0x3FAC] =	sst s2  }
0xb: {  	[smem:$0x3FAD] =	sst s3  }
0xc: {  	[smem:$0x3FAE] =	sst s4  }
0xd: {  	[smem:$0x3FAF] =	sst s5  }
0xe: {  	[smem:$0x3FB0] =	sst s6  }
0xf: {  	[smem:$0x3FB1] =	sst s7  }
0x10: {  	[smem:$0x3FB2] =	sst s8  }
0x11: {  	[smem:$0x3FB3] =	sst s9;
	s0 =	simm.s32 @!p0 $0x0  }
0x12: {  	s1 =	sld [smem:$0x3F99];
	s0 =	simm.s32 @p0 $0x1  }
0x13: {  	[smem:$0x3FB4] =	sst s0;
	s0 =	simm.s32 @!p1 $0x0  }
0x14: {  	s2 =	sld [smem:$0x3F98];
	s0 =	simm.s32 @p1 $0x1  }
0x15: {  	[smem:$0x3FB5] =	sst s0;
	s0 =	simm.s32 @!p2 $0x0  }
0x16: {  	s3 =	sld [smem:$0x3FDB];
	s0 =	simm.s32 @p2 $0x1  }
0x17: {  	s4 =	simm.s32 $0x1BF5;
	[smem:$0x3FB7] =	sst s0  }
0x18: {  	s0 =	sld [smem:$0x3F9A];
	_ =	swait.ge [sflag:s4], $0x0  }
0x19: {  	s7 =	sld [smem:$0x3F9B]  }
0x1a: {  	s8 =	sadd.s32 $0xFFFFE003, lr  }
0x1b: {  	s9 =	sadd.s32 $0xFFFFFEF7, lr;
	s5 =	simm.s32 $0xFFFFFFFF;
	p2 =	slt.u32 s8, $0xFFFFF086  }
0x1c: {  	p1 =	slt.u32 s9, $0xF7A;
	s5 =	simm.s32 @!p2 $0x0  }
0x1d: {  	s5 =	simm.s32 @p1 $0x1;
	p0 =	seq.s32 s7, s2  }
0x1e: {  	s7 =	smul.u32 @!p0 $0xF7A, s2;
	p2 =	seq.s32 @!p0 s5, $0x0  }
0x1f: {  	s9 =	smul.u32 $0xF7A, s1;
	s8 =	simm.s32 @!p0 $0x1BF5;
	p2 =	por !p2, p0  }
0x20: {  	[sflag:s8] =	ssyncset.s32 @!p0 $0xFFFFF086;
	s6 =	sadd.s32 @!p0 s3, s7;
	s7 =	simm.s32 @!p0 $0x108  }
0x21: {  	s3 =	sadd.s32 s3, s9;
	s6 =	sadd.s32 @!p0 $0x88, s6;
	s7 =	simm.s32 @p2 $0x1082  }
0x22: {  	[simem:s7], [sflag:s8] =	dma.local @!p0 [hbm:s6], $0xF7A  }
0x23: {  	s9 =	sor.u32 $0xD0000000, s2;
	s6 =	simm.s32 $0x108;
	_ =	swait.ge @!p0 [sflag:s8], $0x0  }
0x24: {  	s3 =	sadd.s32 $0x88, s3;
	s6 =	simm.s32 @!p1 $0x1082;
	[sflag:s4] =	ssyncset.s32 $0xFFFFF086  }
0x25: {  	[simem:s6], [sflag:s4] =	dma.local [hbm:s3], $0xF7A  }
0x26: {  	[smem:$0x3F9B] =	sst s1;
	(tag) =	ssettag s2;
	_ =	strace s9  }
0x27: {  	s1 =	sld [smem:$0x3FAB]  }
0x28: {  	s2 =	sld [smem:$0x3FAC]  }
0x29: {  	s4 =	sld [smem:$0x3FAE]  }
0x2a: {  	p0 =	seq.s32 s5, $0x0;
	s5 =	sld [smem:$0x3FAF]  }
0x2b: {  	s6 =	sld [smem:$0x3FB0]  }
0x2c: {  	s7 =	sld [smem:$0x3FB1]  }
0x2d: {  	s3 =	simm.s32 $0x108;
	s8 =	sld [smem:$0x3FB2]  }
0x2e: {  	s3 =	simm.s32 @!p0 $0x1082;
	s9 =	sld [smem:$0x3FB3]  }
0x2f: {  	lr =	sadd.s32 s0, s3;
	s0 =	sld [smem:$0x3FAA]  }
0x30: {  	s3 =	sld [smem:$0x3FAD]  }
0x31: {  	[smem:$0x3FB6] =	sst s10  }
0x32: {  	s10 =	sld [smem:$0x3FB4];
	_ =	sdelay $0x3  }
0x33: {  	p0 =	seq.s32 s10, $0x1;
	s10 =	sld [smem:$0x3FB6];
	_ =	sdelay $0x3  }
0x34: {  	[smem:$0x3FB6] =	sst s10  }
0x35: {  	s10 =	sld [smem:$0x3FB5];
	_ =	sdelay $0x3  }
0x36: {  	p1 =	seq.s32 s10, $0x1;
	s10 =	sld [smem:$0x3FB6];
	_ =	sdelay $0x3  }
0x37: {  	[smem:$0x3FB6] =	sst s10  }
0x38: {  	s10 =	sld [smem:$0x3FB7]  }
0x39: {  	_ = 	snop;
	(pc) =	sbr.ind lr, $3  }
0x3a: {  	_ = 	snop  }
0x3b: {  	_ = 	snop  }
0x3c: {  	p2 =	seq.s32 s10, $0x1;
	s10 =	sld [smem:$0x3FB6]  }
0x3d: {  	_ =	shalt  }
0x3e: {  	_ =	shalt  }
0x3f: {  	_ =	shalt  }
0x40: {  	_ =	shalt  }
0x41: {  	_ =	shalt  }
0x42: {  	_ =	shalt  }
0x43: {  	_ =	shalt  }
0x44: {  	_ =	shalt  }
0x45: {  	_ =	shalt  }
0x46: {  	_ =	shalt  }
0x47: {  	_ =	shalt  }
0x48: {  	_ =	shalt  }
0x49: {  	_ =	shalt  }
0x4a: {  	_ =	shalt  }
0x4b: {  	_ =	shalt  }
0x4c: {  	_ =	shalt  }
0x4d: {  	_ =	shalt  }
0x4e: {  	_ =	shalt  }
0x4f: {  	_ =	shalt  }
0x50: {  	_ =	shalt  }
0x51: {  	_ =	shalt  }
0x52: {  	_ =	shalt  }
0x53: {  	_ =	shalt  }
0x54: {  	_ =	shalt  }
0x55: {  	_ =	shalt  }
0x56: {  	_ =	shalt  }
0x57: {  	_ =	shalt  }
0x58: {  	_ =	shalt  }
0x59: {  	_ =	shalt  }
0x5a: {  	_ =	shalt  }
0x5b: {  	_ =	shalt  }
0x5c: {  	_ =	shalt  }
0x5d: {  	_ =	shalt  }
0x5e: {  	_ =	shalt  }
0x5f: {  	_ =	shalt  }
0x60: {  	_ =	shalt  }
0x61: {  	_ =	shalt  }
0x62: {  	_ =	shalt  }
0x63: {  	_ =	shalt  }
0x64: {  	_ =	shalt  }
0x65: {  	_ =	shalt  }
0x66: {  	_ =	shalt  }
0x67: {  	_ =	shalt  }
0x68: {  	_ =	shalt  }
0x69: {  	_ =	shalt  }
0x6a: {  	_ =	shalt  }
0x6b: {  	_ =	shalt  }
0x6c: {  	_ =	shalt  }
0x6d: {  	_ =	shalt  }
0x6e: {  	_ =	shalt  }
0x6f: {  	_ =	shalt  }
0x70: {  	_ =	shalt  }
0x71: {  	_ =	shalt  }
0x72: {  	_ =	shalt  }
0x73: {  	_ =	shalt  }
0x74: {  	_ =	shalt  }
0x75: {  	_ =	shalt  }
0x76: {  	_ =	shalt  }
0x77: {  	_ =	shalt  }
0x78: {  	_ =	shalt  }
0x79: {  	_ =	shalt  }
0x7a: {  	_ =	shalt  }
0x7b: {  	_ =	shalt  }
0x7c: {  	_ =	shalt  }
0x7d: {  	_ =	shalt  }
0x7e: {  	_ =	shalt  }
0x7f: {  	_ =	shalt  }
0x80: {  	_ =	shalt  }
0x81: {  	_ =	shalt  }
0x82: {  	_ =	shalt  }
0x83: {  	_ =	shalt  }
0x84: {  	_ =	shalt  }
0x85: {  	_ =	shalt  }
0x86: {  	_ =	shalt  }
0x87: {  	_ =	shalt  }
.Lfunc_end0:
.L_simem_size_0:
called_computation_lowered:
.L_overlay_start_0:
0x88: {  	s2 =	sld [smem:$0x3FD9]  }
0x89: {  	s3 =	sld [smem:$0x3FFE];
	_ =	sdelay $0x1  }
0x8a: {  	s1 =	srdreg.scid  }
0x8b: {  	s0 =	sand.u32 $0x1, s1  }
0x8c: {  	s18 =	sshll.u32 s0, $0xA;
	s2 =	sadd.s32 s3, s2  }
0x8d: {  	s2 =	sadd.s32 s2, s18  }
0x8e: {  	[smem:$0x3FC2] =	sst s2  }
0x8f: {  	_ = 	snop  }
0x90: {  	s2 =	sld [smem:$0x3FC8]  }
0x91: {  	s19 =	sld [smem:$0x3FD0];
	(tm) =	ssettm $0x1  }
0x92: {  	s4 =	sld [smem:$0x3FFB];
	_ =	sdelay $0x3  }
0x93: {  	_ =	strace s4  }
0x94: {  	s4 =	sld [smem:$0x3FFC];
	_ =	sdelay $0x3  }
0x95: {  	_ =	strace s4  }
0x96: {  	s4 =	sld [smem:$0x3FFD];
	_ =	sdelay $0x3  }
0x97: {  	_ =	strace s4  }
0x98: {  	_ =	strace $0x8FFFFFFF  }
0x99: {  	s20 =	sld [smem:$0x3FDB];
	_ =	sdelay $0x1  }
0x9a: {  	s5 =	simm.s32 $_scs_section_size  }
0x9b: {  	s6 =	simm.s32 $_size__tile_overlayer_lowered;
	s7 =	simm.s32 $_tile_overlayer_lowered  }
0x9c: {  	s23 =	simm.s32 $0x1BFF;
	s22 =	sshll.u32 s7, $0x1;
	s4 =	sadd.s32 s5, s20  }
0x9d: {  	s8 =	simm.s32 $0x0;
	s21 =	sshll.u32 s6, $0x1;
	s6 =	sadd.s32 s22, s4  }
0x9e: {  	[timem:s8], [sflag:s23] =	dma.local [hbm:s6], s21  }
0x9f: {  	_ =	swait.ge [sflag:s23], s21  }
0xa0: {  	s5 =	ssub.s32 $0x0, s21;
	[sflag:s23] =	ssyncset.done $0x0  }
0xa1: {  	[sflag:s23] =	ssyncadd.s32 s5;
	_ =	sdelay $0x1  }
0xa2: {  	s24 =	simm.s32 $0x1B8B  }
0xa3: {  	_ =	swait.ge [sflag:s24], $0x1  }
0xa4: {  	[sflag:s24] =	ssyncset.done $0x0  }
0xa5: {  	s25 =	simm.s32 $0x1B8E;
	[sflag:s24] =	ssyncadd.s32 $0xFFFFFFFF  }
0xa6: {  	s26 =	simm.s32 $execute0_lowered;
	[smem:$0x3FD2] =	sst s25  }
0xa7: {  	s5 =	sshll.u32 s26, $0x1;
	_ =	strace $0x80000046;
	[dreg:$0x1] =	wrdreg $0xFFFFFFFF  }
0xa8: {  	s28 =	simm.s32 $_size_execute0_lowered;
	s4 =	sadd.s32 s4, s5;
	[dreg:$0x0] =	wrdreg $0x0  }
0xa9: {  	s5 =	sshll.u32 s28, $0x1;
	[dreg:$0x2] =	wrdreg s4  }
0xaa: {  	[dreg:$0x3] =	wrdreg s5  }
0xab: {  	[dreg:$0x4] =	wrdreg $0xC0  }
0xac: {  	_ =	task [dreg:s8], $0x5FFFF  }
0xad: {  	[dreg:$0x1] =	wrdreg $0xFFFFFFFF  }
0xae: {  	[dreg:$0x0] =	wrdreg $0x60  }
0xaf: {  	[dreg:$0x2] =	wrdreg s2  }
0xb0: {  	[dreg:$0x3] =	wrdreg s19  }
0xb1: {  	[dreg:$0x4] =	wrdreg $0x9  }
0xb2: {  	_ =	task.clear_ibuf [dreg:s8], $0x5FFFF;
	_ =	strace $0x90000046  }
0xb3: {  	s29 =	simm.s32 $0x9;
	_ =	strace $0x80000048  }
0xb4: {  	_ =	swait.ge [sflag:s29], $0x1  }
0xb5: {  	[sflag:s29] =	ssyncadd.s32 $0xFFFFFFFF  }
0xb6: {  	_ =	strace $0x90000048  }
0xb7: {  	_ =	sfence  }
0xb8: {  	s30 =	sld [smem:$0x0];
	_ =	sdelay $0x2  }
0xb9: {  	s31 =	sshll.u32 s1, $0xD;
	s1 =	sshrl.u32 s1, $0x2  }
0xba: {  	s3 =	sand.u32 $0x4000, s31;
	s1 =	sadd.s32 s1, s30  }
0xbb: {  	s0 =	sor.u32 s3, s0;
	s1 =	sshll.u32 s1, $0x11  }
0xbc: {  	s0 =	sor.u32 s1, s0  }
0xbd: {  	s0 =	sadd.s32 $0x8F2B, s0  }
0xbe: {  	[sflag:s0] =	ssyncadd.remote.s32 $0x1  }
0xbf: {  	_ =	sfence.sel $0xFFFF  }
0xc0: {  	[dreg:$0x0] =	wrdreg $0xFFFFFFFF;
	(pc) =	sbr.abs _section_cstart, $3  }
0xc1: {  	[dreg:$0x1] =	wrdreg $0xFFFFFFFF  }
0xc2: {  	_ =	task.clear_ibuf [dreg:s8], $0x2FFFF;
	_ =	strace $0x9FFFFFFF  }
0xc3: {  	(tm) =	ssettm $0x7FFFFFFF  }
tec
execute0_lowered:
.L_overlay_start_1:
0x0: {  	(tag) =	ssettag $0x1  }
0x1: {  	s3 =	rddreg [dreg:$0x0]  }
0x2: {  	s5 =	rddreg [dreg:$0x1]  }
0x3: {  	s0 =	rddreg [dreg:$0x2];
	s2 =	simm.s32 $0x0  }
0x4: {  	s4 =	srdreg.scid;
	s1 =	stileid.u32;
	s11 =	simm.s32 $0x2  }
0x5: {  	s12 =	simm.s32 $0x0;
	[smem:$0x7FF] =	sst s2;
	s4 =	sand.u32 $0x1, s4  }
0x6: {  	s6 =	sshll.u32 s1, $0x1;
	s31 =	sshrl.u32 s1, $0x2;
	p0 =	sgt.u32 s1, $0x1  }
0x7: {  	_ =	strace $0x80000047;
	s7 =	ssub.s32 $0x2, s4;
	s4 =	sor.u32 s4, s6  }
0x8: {  	s6 =	smul.u32 $0x13C00, s31;
	s8 =	sshrl.u32 s7, $0x1;
	s9 =	sshll.u32 s4, $0x7  }
0x9: {  	s10 =	smul.u32 $0x9C0, s4;
	s4 =	sshll.u32 s4, $0x5;
	s9 =	sand.u32 $0x380, s9  }
0xa: {  	s7 =	ssub.s32 s7, s8;
	s4 =	sadd.s32 s4, s3;
	s8 =	simm.s32 $0x4F00  }
0xb: {  	s6 =	sor.u32 s6, s9;
	s3 =	sadd.s32 s3, s10;
	s4 =	sadd.s32 $0x13800, s4  }
0xc: {  	s9 =	simm.s32 $0x80;
	s10 =	simm.s32 $0x400;
	s6 =	sshrl.u32 s6, $0x3  }
0xd: {  	v0 =	vimm.f32 $0.0e+00;
	v1 =	vimm.f32 $1.000000000e+00;
	s5 =	sadd.s32 s5, s6;
	s6 =	smax.u32 s7, $0x1;
	s7 =	simm.s32 $0x1  }
.LBB2_1:
0xe: {  	[tilespmem:s2], [sflag:$0x1] =	stream.linear.gather [hbm4b:s3+s2], $0x4E00, $0x38;
	[tilespmem:$0x7680] =	vst v63  }
0xf: {  	s13 =	simm.s32 $0x40;
	s14 =	simm.s32 $0x0  }
.LBB2_2:
0x10: {  	p1 =	sne.s32 s13, $0x9C00;
	[tilespmem:s14+$0x4F00] =	vst v0;
	s14 =	smov.u32 s13;
	s13 =	sadd.s32 $0x40, s13  }
.Ltmp0:
0x11: {  	(pc) =	sbr.rel @p1 .LBB2_2-.Ltmp0, $2  }
0x12: {  	_ =	sdelay $0x2  }
0x13: {  	s14 =	sshra.s32 s14, $0x2  }
0x14: {  	[tilespmem:s14+$0x4F00] =	vst v0  }
0x15: {  	s13 =	simm.s32 $0x0;
	_ =	swait.ge [sflag:s7], $0x4E00  }
0x16: {  	s31 =	sand.u32 $0x70, s13;
	s13 =	sand.u32 $0x7F00, s13;
	[sflag:s7] =	ssyncset.done $0x0  }
0x17: {  	s14 =	sor.u32 s31, s13;
	[sflag:s7] =	ssyncadd.s32 $0xFFFFB200  }
0x18: {  	v2 =	vld [tilespmem:s14+$0x80];
	_ =	sdelay $0x5  }
0x19: {  	s15 =	simm.s32 $0x10;
	s13 =	simm.s32 $0x20  }
0x1a: {  	s15 =	sand.u32 $0x70, s15;
	s16 =	sand.u32 $0x7F00, s13;
	s14 =	simm.s32 $0x20  }
.LBB2_4:
0x1b: {  	p1 =	sne.s32 s14, $0x26F0;
	s15 =	sor.u32 s15, s16;
	[tilespmem:v2+s8+$0x0] =	vst.idx.add.f32.msk $0xffff, v1  }
0x1c: {  	v2 =	vld [tilespmem:s15+$0x80];
	_ =	sdelay $0x2  }
.Ltmp1:
0x1d: {  	(pc) =	sbr.rel @p1 .LBB2_4-.Ltmp1, $3  }
0x1e: {  	_ =	sdelay $0x1  }
0x1f: {  	s13 =	sadd.s32 $0x20, s13  }
0x20: {  	s15 =	sand.u32 $0x70, s14;
	s16 =	sand.u32 $0x7F00, s13;
	s14 =	sadd.s32 $0x10, s14  }
0x21: {  	_ =	sdelay $0x3  }
0x22: {  	s13 =	sor.u32 s15, s16;
	[tilespmem:v2+s8+$0x0] =	vst.idx.add.f32.msk $0xffff, v1  }
0x23: {  	v2 =	vld [tilespmem:s13+$0x80];
	_ =	sdelay $0x7  }
0x24: {  	s14 =	simm.s32 @!p0 $0x4E00;
	s13 =	simm.s32 @!p0 $0x0;
	[tilespmem:v2+s8+$0x0] =	vst.idx.add.f32.msk $0xffff, v1  }
0x25: {  	[tilespmem:s14], [sflag:$0x2] =	stream.linear.gather @!p0 [hbm4b:s4+s13], $0x100, $0x38;
	[tilespmem:$0x7680] =	vst v63  }
0x26: {  	s13 =	simm.s32 @!p0 $0x2  }
0x27: {  	_ =	swait.ge @!p0 [sflag:s13], $0x100  }
0x28: {  	[sflag:s13] =	ssyncset.done @!p0 $0x0  }
0x29: {  	[sflag:s13] =	ssyncadd.s32 @!p0 $0xFFFFFF00  }
0x2a: {  	v2 =	vld @!p0 [tilespmem:$0x4E80];
	_ =	sdelay $0x6  }
0x2b: {  	v3 =	vimm.f32 @!p0 $1.000000000e+00;
	s13 =	simm.s32 @!p0 $0x4F00  }
0x2c: {  	[tilespmem:v2+s13+$0x0] =	vst.idx.add.f32.msk @!p0 $0xffff, v3  }
0x2d: {  	v2 =	vld @!p0 [tilespmem:$0x4E90];
	_ =	sdelay $0x7  }
0x2e: {  	[tilespmem:v2+s13+$0x0] =	vst.idx.add.f32.msk @!p0 $0xffff, v3  }
0x2f: {  	v2 =	vld @!p0 [tilespmem:$0x4EA0];
	_ =	sdelay $0x7  }
0x30: {  	[tilespmem:v2+s13+$0x0] =	vst.idx.add.f32.msk @!p0 $0xffff, v3  }
0x31: {  	v2 =	vld @!p0 [tilespmem:$0x4EB0];
	_ =	sdelay $0x7  }
0x32: {  	[tilespmem:v2+s13+$0x0] =	vst.idx.add.f32.msk @!p0 $0xffff, v3  }
0x33: {  	v2 =	vld @!p0 [tilespmem:$0x4EC0];
	_ =	sdelay $0x7  }
0x34: {  	[tilespmem:v2+s13+$0x0] =	vst.idx.add.f32.msk @!p0 $0xffff, v3  }
0x35: {  	v2 =	vld @!p0 [tilespmem:$0x4ED0];
	_ =	sdelay $0x7  }
0x36: {  	[tilespmem:v2+s13+$0x0] =	vst.idx.add.f32.msk @!p0 $0xffff, v3  }
0x37: {  	v2 =	vld @!p0 [tilespmem:$0x4EE0];
	_ =	sdelay $0x7  }
0x38: {  	[tilespmem:v2+s13+$0x0] =	vst.idx.add.f32.msk @!p0 $0xffff, v3  }
0x39: {  	v2 =	vld @!p0 [tilespmem:$0x4EF0];
	_ =	sdelay $0x5  }
0x3a: {  	s12 =	sadd.s32 $0x1, s12  }
0x3b: {  	p1 =	sne.s32 s12, s6  }
.Ltmp2:
0x3c: {  	[tilespmem:v2+s13+$0x0] =	vst.idx.add.f32.msk @!p0 $0xffff, v3;
	(pc) =	sbr.rel @p1 .LBB2_1-.Ltmp2, $4  }
0x3d: {  	[hbm4b:s5+s9] =	stream.strided.scatter [tilespmem:s8], [sflag:$0x2], $0x2780, s10, s9, $0x38;
	[tilespmem:$0x7680] =	vst v63  }
0x3e: {  	_ =	swait.ge [sflag:s11], $0x2780  }
0x3f: {  	[sflag:s11] =	ssyncset.done $0x0  }
0x40: {  	[sflag:s11] =	ssyncadd.s32 $0xFFFFD880  }
0x41: {  	_ =	sfence.sel $0x180000  }
0x42: {  	[bflag:$0x0] =	sbarrier.arrive $0xFFFF  }
0x43: {  	p0 =	sne.s32 s1, $0x0;
	_ =	strace $0x90000047  }
0x44: {  	s0 =	sadd.s32 @!p0 $0x100000, s0;
	[bflag:$0x2] =	sbarrier.arrive $0xFFFF  }
0x45: {  	[sflag:s0] =	ssyncadd.tile.s32 @!p0 $0x1;
	_ =	shalt  }
.Lfunc_end2:
_tile_overlayer_lowered:
.L_overlay_start_2:
0x46: {  	(tag) =	ssettag $0x2  }
0x47: {  	s0 =	rddreg [dreg:$0x0];
	s2 =	stileid.u32  }
0x48: {  	s1 =	rddreg [dreg:$0x1];
	p0 =	sne.s32 s2, $0x0  }
0x49: {  	s3 =	rddreg [dreg:$0x2];
	[bflag:$0x3] =	sbarrier.arrive $0xFFFF;
	s2 =	simm.s32 @!p0 $0x1C02  }
0x4a: {  	[timem:s3], [sflag:s2] =	dma.local @!p0 [hbm:s0], s1  }
0x4b: {  	s0 =	simm.s32 @!p0 $0x2  }
0x4c: {  	_ =	swait.ge @!p0 [sflag:s0], s1  }
0x4d: {  	s1 =	ssub.s32 @!p0 $0x0, s1;
	[sflag:s0] =	ssyncset.done @!p0 $0x0  }
0x4e: {  	[sflag:s0] =	ssyncadd.s32 @!p0 s1  }
0x4f: {  	[bflag:$0x3] =	sbarrier.arrive $0xFFFF  }
0x50: {  	_ =	shalt  }

</sc_bundles>
